<compile_context>
chip_gen: v7x
topology: tpu7x:2x2x1
jax: 0.10.2.dev20260603
libtpu: 0.0.44.dev20260713+nightly
codegen_flags: <defaults>
</compile_context>

<pallas_src>
import functools

import jax
import jax.numpy as jnp
from jax import lax
from jax.experimental import pallas as pl
from jax.experimental.pallas import tpu as pltpu
from jax.experimental.pallas import tpu_sc as plsc

N = 10000
E = 320000
H = 128

NC = 2
NS = 16
NW = NC * NS
EPW = E // NW
CHUNK = 96
NCHUNKS = EPW // CHUNK
ETAIL = EPW - NCHUNKS * CHUNK
NB = 4
NGROUPS = NCHUNKS // NB
RPS = 624
RPS_LAST = N - (NS - 1) * RPS


def _agg_entry(table, src3, dst3, zeros, out, *rest):
    idxs = rest[0:NB]
    idxd = rest[NB:2 * NB]
    rowbufs = rest[2 * NB:3 * NB]
    tidx_s, tidx_d = rest[3 * NB], rest[3 * NB + 1]
    acc = rest[3 * NB + 2]
    base_s = 3 * NB + 3
    isems_s = rest[base_s:base_s + NB]
    isems_d = rest[base_s + NB:base_s + 2 * NB]
    gsems = rest[base_s + 2 * NB:base_s + 3 * NB]
    ssems = rest[base_s + 3 * NB:base_s + 4 * NB]

    cid = lax.axis_index("c")
    sid = lax.axis_index("s")
    wid = sid * NC + cid
    r0 = sid * RPS

    @pl.when(jnp.logical_and(cid == 0, sid < NS - 1))
    def _():
        pltpu.sync_copy(table.at[pl.ds(r0, RPS)], acc.at[pl.ds(r0, RPS)])

    @pl.when(jnp.logical_and(cid == 0, sid == NS - 1))
    def _():
        last = (NS - 1) * RPS
        pltpu.sync_copy(table.at[pl.ds(last, RPS_LAST)],
                        acc.at[pl.ds(last, RPS_LAST)])

    @pl.when(jnp.logical_and(cid != 0, sid < NS - 1))
    def _():
        pltpu.sync_copy(zeros.at[pl.ds(r0, RPS)], acc.at[pl.ds(r0, RPS)])

    @pl.when(jnp.logical_and(cid != 0, sid == NS - 1))
    def _():
        last = (NS - 1) * RPS
        pltpu.sync_copy(zeros.at[pl.ds(last, RPS_LAST)],
                        acc.at[pl.ds(last, RPS_LAST)])

    plsc.subcore_barrier()

    def _wait_prev_scatter(b):
        pltpu.make_async_copy(rowbufs[b], acc.at[idxd[b]], ssems[b]).wait()

    def _issue_idx(base, b):
        off = base + b * CHUNK
        pltpu.async_copy(src3.at[pl.ds(off, CHUNK)], idxs[b], isems_s[b])
        pltpu.async_copy(dst3.at[pl.ds(off, CHUNK)], idxd[b], isems_d[b])

    def _issue_gather(b):
        pltpu.make_async_copy(src3.at[pl.ds(0, CHUNK)], idxs[b],
                              isems_s[b]).wait()
        pltpu.async_copy(table.at[idxs[b]], rowbufs[b], gsems[b])

    def _issue_scatter(b):
        pltpu.make_async_copy(table.at[idxs[b]], rowbufs[b], gsems[b]).wait()
        pltpu.make_async_copy(dst3.at[pl.ds(0, CHUNK)], idxd[b],
                              isems_d[b]).wait()
        pltpu.async_copy(rowbufs[b], acc.at[idxd[b]], ssems[b], add=True)

    def group(q, carry):
        base = wid * EPW + q * NB * CHUNK
        for b in (0, 1):
            @pl.when(q > 0)
            def _(b=b):
                _wait_prev_scatter(b)
            _issue_idx(base, b)
        for b in (0, 1):
            _issue_gather(b)
        for b in (2, 3):
            @pl.when(q > 0)
            def _(b=b):
                _wait_prev_scatter(b)
            _issue_idx(base, b)
        for b in (0, 1):
            _issue_scatter(b)
        for b in (2, 3):
            _issue_gather(b)
        for b in (2, 3):
            _issue_scatter(b)
        return carry

    lax.fori_loop(0, NGROUPS, group, 0)
    for b in range(NB):
        _wait_prev_scatter(b)

    if ETAIL:
        toff = wid * EPW + NCHUNKS * CHUNK
        pltpu.sync_copy(src3.at[pl.ds(toff, ETAIL)], tidx_s)
        pltpu.sync_copy(dst3.at[pl.ds(toff, ETAIL)], tidx_d)
        pltpu.async_copy(table.at[tidx_s], rowbufs[0].at[pl.ds(0, ETAIL)],
                         gsems[0]).wait()
        pltpu.sync_copy(rowbufs[0].at[pl.ds(0, ETAIL)], acc.at[tidx_d],
                        add=True)

    plsc.subcore_barrier()

    @pl.when(sid < NS - 1)
    def _():
        pltpu.sync_copy(acc.at[pl.ds(r0, RPS)], out.at[cid, pl.ds(r0, RPS)])

    @pl.when(sid == NS - 1)
    def _():
        last = (NS - 1) * RPS
        pltpu.sync_copy(acc.at[pl.ds(last, RPS_LAST)],
                        out.at[cid, pl.ds(last, RPS_LAST)])


_agg = pl.kernel(
    _agg_entry,
    out_type=jax.ShapeDtypeStruct((NC, N, H), jnp.float32),
    mesh=plsc.VectorSubcoreMesh(core_axis_name="c", subcore_axis_name="s"),
    scratch_types=(
        [pltpu.VMEM((CHUNK,), jnp.int32) for _ in range(2 * NB)]
        + [pltpu.VMEM((CHUNK, H), jnp.float32) for _ in range(NB)]
        + [pltpu.VMEM((ETAIL,), jnp.int32) for _ in range(2)]
        + [pltpu.VMEM_SHARED((N, H), jnp.float32)]
        + [pltpu.SemaphoreType.DMA for _ in range(4 * NB)]
    ),
)


def _mlp_body(p_ref, w_ref, b_ref, o_ref, *, relu):
    z = p_ref[0] + p_ref[1]
    y = jnp.dot(z, w_ref[...], preferred_element_type=jnp.float32) + b_ref[...]
    if relu:
        y = jnp.maximum(y, 0.0)
    o_ref[...] = y


def _mlp(p, w, b, relu):
    bn = 2000
    return pl.pallas_call(
        functools.partial(_mlp_body, relu=relu),
        grid=(N // bn,),
        in_specs=[
            pl.BlockSpec((NC, bn, H), lambda i: (0, i, 0)),
            pl.BlockSpec((H, H), lambda i: (0, 0)),
            pl.BlockSpec((1, H), lambda i: (0, 0)),
        ],
        out_specs=pl.BlockSpec((bn, H), lambda i: (i, 0)),
        out_shape=jax.ShapeDtypeStruct((N, H), jnp.float32),
    )(p, w, b.reshape(1, H))


def kernel(x, edge_index, W0, b0, bn_gamma, bn_beta, W1, b1):
    src = edge_index[0]
    dst = edge_index[1]
    zeros = jnp.zeros((N, H), jnp.float32)
    s = bn_gamma * jax.lax.rsqrt(1.0 + 1e-5)
    W0p = W0.T * s[None, :]
    b0p = b0 * s + bn_beta

    p0 = _agg(x, src, dst, zeros)
    h = _mlp(p0, W0p, b0p, relu=True)
    p1 = _agg(h, src, dst, zeros)
    out = _mlp(p1, W1.T, b1, relu=False)
    return out

# --- scband reference (transcript-rebuilt; emitter-appended) ---
"""Pipeline reference for scband-gin-21784074125533 (READ-ONLY COPY).

The authoritative reference and input builder live on the scoring server;
editing this copy changes nothing except your own understanding.
"""

import jax, jax.numpy as jnp
import numpy as np

N = 10000
E = 320000
F_IN = 128
H = 128

def setup_inputs(seed: int = 0) -> dict:
    key = jax.random.key(seed)
    ks = jax.random.split(key, 8)
    x = jax.random.normal(ks[0], (N, F_IN), dtype=jnp.float32)
    edge_index = jax.random.randint(ks[1], (2, E), 0, N, dtype=jnp.int32)
    # GINConv MLPs are single nn.Linear layers per the module code
    W0 = jax.random.normal(ks[2], (H, F_IN), dtype=jnp.float32) * (1.0 / np.sqrt(F_IN))
    b0 = jnp.zeros((H,), dtype=jnp.float32)
    # BatchNorm1d in eval mode with default running stats (mean=0, var=1)
    bn_gamma = jnp.ones((H,), dtype=jnp.float32)
    bn_beta = jnp.zeros((H,), dtype=jnp.float32)
    W1 = jax.random.normal(ks[3], (H, H), dtype=jnp.float32) * (1.0 / np.sqrt(H))
    b1 = jnp.zeros((H,), dtype=jnp.float32)
    return {"x": x, "edge_index": edge_index, "W0": W0, "b0": b0, "bn_gamma": bn_gamma, "bn_beta": bn_beta, "W1": W1, "b1": b1}

def _gin_conv(x, src, dst, W, b, num_nodes):
    # GINConv: h_i = MLP((1+eps)*x_i + sum_{j in N(i)} x_j), eps=0 default
    agg = jax.ops.segment_sum(x[src], dst, num_segments=num_nodes)
    h = x + agg
    return h @ W.T + b

def reference(x, edge_index, W0, b0, bn_gamma, bn_beta, W1, b1):
    # Faithful to the module's forward: due to the early return inside the loop,
    # it applies layer0 -> BN -> ReLU -> (dropout, identity in eval) -> last layer, then returns.
    src = edge_index[0]
    dst = edge_index[1]
    h = _gin_conv(x, src, dst, W0, b0, N)
    # BatchNorm1d eval: (h - running_mean)/sqrt(running_var + eps) * gamma + beta; mean=0, var=1
    eps = 1e-5
    h = (h / jnp.sqrt(1.0 + eps)) * bn_gamma + bn_beta
    h = jax.nn.relu(h)
    # dropout p=0.5 is identity in eval mode
    out = _gin_conv(h, src, dst, W1, b1, N)
    return out

if __name__ == "__main__":
    import jax
    _d = setup_inputs()
    print(jax.jit(kernel)(*tuple(_d.values())))

</pallas_src>

<mosaic_0001>
#map = affine_map<(d0, d1) -> (0, 0)>
#map1 = affine_map<(d0, d1) -> (0)>
#map2 = affine_map<(d0, d1) -> (0, 0, 0)>
module attributes {stable_mosaic.version = 14 : i64} {
  func.func @_agg_entry(%arg0: i32, %arg1: i32, %arg2: memref<10000x128xf32, #tpu.memory_space<hbm>>, %arg3: memref<320000xi32, #tpu.memory_space<hbm>>, %arg4: memref<320000xi32, #tpu.memory_space<hbm>>, %arg5: memref<10000x128xf32, #tpu.memory_space<hbm>>, %arg6: memref<2x10000x128xf32, #tpu.memory_space<hbm>>, %arg7: memref<96xi32, #tpu.memory_space<vmem>>, %arg8: memref<96xi32, #tpu.memory_space<vmem>>, %arg9: memref<96xi32, #tpu.memory_space<vmem>>, %arg10: memref<96xi32, #tpu.memory_space<vmem>>, %arg11: memref<96xi32, #tpu.memory_space<vmem>>, %arg12: memref<96xi32, #tpu.memory_space<vmem>>, %arg13: memref<96xi32, #tpu.memory_space<vmem>>, %arg14: memref<96xi32, #tpu.memory_space<vmem>>, %arg15: memref<96x128xf32, #tpu.memory_space<vmem>>, %arg16: memref<96x128xf32, #tpu.memory_space<vmem>>, %arg17: memref<96x128xf32, #tpu.memory_space<vmem>>, %arg18: memref<96x128xf32, #tpu.memory_space<vmem>>, %arg19: memref<16xi32, #tpu.memory_space<vmem>>, %arg20: memref<16xi32, #tpu.memory_space<vmem>>, %arg21: memref<10000x128xf32, #tpu.memory_space<vmem_shared>>, %arg22: memref<!tpu.dma_semaphore, #tpu.memory_space<semaphore_mem>>, %arg23: memref<!tpu.dma_semaphore, #tpu.memory_space<semaphore_mem>>, %arg24: memref<!tpu.dma_semaphore, #tpu.memory_space<semaphore_mem>>, %arg25: memref<!tpu.dma_semaphore, #tpu.memory_space<semaphore_mem>>, %arg26: memref<!tpu.dma_semaphore, #tpu.memory_space<semaphore_mem>>, %arg27: memref<!tpu.dma_semaphore, #tpu.memory_space<semaphore_mem>>, %arg28: memref<!tpu.dma_semaphore, #tpu.memory_space<semaphore_mem>>, %arg29: memref<!tpu.dma_semaphore, #tpu.memory_space<semaphore_mem>>, %arg30: memref<!tpu.dma_semaphore, #tpu.memory_space<semaphore_mem>>, %arg31: memref<!tpu.dma_semaphore, #tpu.memory_space<semaphore_mem>>, %arg32: memref<!tpu.dma_semaphore, #tpu.memory_space<semaphore_mem>>, %arg33: memref<!tpu.dma_semaphore, #tpu.memory_space<semaphore_mem>>, %arg34: memref<!tpu.dma_semaphore, #tpu.memory_space<semaphore_mem>>, %arg35: memref<!tpu.dma_semaphore, #tpu.memory_space<semaphore_mem>>, %arg36: memref<!tpu.dma_semaphore, #tpu.memory_space<semaphore_mem>>, %arg37: memref<!tpu.dma_semaphore, #tpu.memory_space<semaphore_mem>>) attributes {dimension_semantics = [#tpu.dimension_semantics<core_parallel>, #tpu.dimension_semantics<subcore_parallel>], iteration_bounds = array<i64: 2, 16>, scalar_prefetch = 0 : i64, scratch_operands = 31 : i64, tpu.core_type = #tpu.core_type<sc_vector_subcore>, window_params = [{transform_indices = #map}, {transform_indices = #map1}, {transform_indices = #map1}, {transform_indices = #map}, {transform_indices = #map2}]} {
    %mul3A = arith.constant 2 : i32
    %mul3A_0 = arith.muli %arg1, %mul3A : i32
    %add3A = arith.addi %mul3A_0, %arg0 : i32
    %mul3A_1 = arith.constant 624 : i32
    %mul3A_2 = arith.muli %arg1, %mul3A_1 : i32
    %eq3A = arith.constant 0 : i32
    %eq3A_3 = arith.cmpi eq, %arg0, %eq3A : i32
    %lt3A = arith.constant 15 : i32
    %lt3A_4 = arith.cmpi slt, %arg1, %lt3A : i32
    %and3A = arith.andi %eq3A_3, %lt3A_4 : i1
    %convert_element_type3A = arith.extui %and3A : i1 to i32
    %cond3A = arith.constant 0 : i32
    %cond3A_5 = arith.cmpi ne, %convert_element_type3A, %cond3A : i32
    scf.if %cond3A_5 {
      "tpu.region"() ({
        %run_scoped3A = tpu.sem_alloc : memref<!tpu.dma_semaphore, #tpu.memory_space<semaphore_mem>>
        %dma_start3A_71 = arith.constant 0 : i32
        %dma_start3A_72 = tpu.memref_slice %arg21[%mul3A_2, %dma_start3A_71] : memref<10000x128xf32, #tpu.memory_space<vmem_shared>> -> memref<624x128xf32, #tpu.memory_space<vmem_shared>>
        %dma_start3A_73 = arith.constant 0 : i32
        %dma_start3A_74 = tpu.memref_slice %arg2[%mul3A_2, %dma_start3A_73] : memref<10000x128xf32, #tpu.memory_space<hbm>> -> memref<624x128xf32, #tpu.memory_space<hbm>>
        tpu.enqueue_dma source(%dma_start3A_74 : memref<624x128xf32, #tpu.memory_space<hbm>>) target(%dma_start3A_72 : memref<624x128xf32, #tpu.memory_space<vmem_shared>>) target_semaphore(%run_scoped3A : memref<!tpu.dma_semaphore, #tpu.memory_space<semaphore_mem>>)
        %dma_wait3A_75 = arith.constant 0 : i32
        %dma_wait3A_76 = tpu.memref_slice %arg21[%mul3A_2, %dma_wait3A_75] : memref<10000x128xf32, #tpu.memory_space<vmem_shared>> -> memref<624x128xf32, #tpu.memory_space<vmem_shared>>
        %dma_wait3A_77 = arith.constant 0 : i32
        %dma_wait3A_78 = tpu.memref_slice %arg2[%mul3A_2, %dma_wait3A_77] : memref<10000x128xf32, #tpu.memory_space<hbm>> -> memref<624x128xf32, #tpu.memory_space<hbm>>
        tpu.wait_dma2 semaphore(%run_scoped3A : memref<!tpu.dma_semaphore, #tpu.memory_space<semaphore_mem>>) src(%dma_wait3A_78 : memref<624x128xf32, #tpu.memory_space<hbm>>) dst(%dma_wait3A_76 : memref<624x128xf32, #tpu.memory_space<vmem_shared>>)
        tpu.yield
      }) : () -> ()
    } else {
    }
    %eq3A_6 = arith.constant 0 : i32
    %eq3A_7 = arith.cmpi eq, %arg0, %eq3A_6 : i32
    %eq3A_8 = arith.constant 15 : i32
    %eq3A_9 = arith.cmpi eq, %arg1, %eq3A_8 : i32
    %and3A_10 = arith.andi %eq3A_7, %eq3A_9 : i1
    %convert_element_type3A_11 = arith.extui %and3A_10 : i1 to i32
    %cond3A_12 = arith.constant 0 : i32
    %cond3A_13 = arith.cmpi ne, %convert_element_type3A_11, %cond3A_12 : i32
    scf.if %cond3A_13 {
      "tpu.region"() ({
        %run_scoped3A = tpu.sem_alloc : memref<!tpu.dma_semaphore, #tpu.memory_space<semaphore_mem>>
        %dma_start3A_71 = arith.constant 9360 : i32
        %dma_start3A_72 = arith.constant 0 : i32
        %dma_start3A_73 = tpu.memref_slice %arg21[%dma_start3A_71, %dma_start3A_72] : memref<10000x128xf32, #tpu.memory_space<vmem_shared>> -> memref<640x128xf32, #tpu.memory_space<vmem_shared>>
        %dma_start3A_74 = arith.constant 9360 : i32
        %dma_start3A_75 = arith.constant 0 : i32
        %dma_start3A_76 = tpu.memref_slice %arg2[%dma_start3A_74, %dma_start3A_75] : memref<10000x128xf32, #tpu.memory_space<hbm>> -> memref<640x128xf32, #tpu.memory_space<hbm>>
        tpu.enqueue_dma source(%dma_start3A_76 : memref<640x128xf32, #tpu.memory_space<hbm>>) target(%dma_start3A_73 : memref<640x128xf32, #tpu.memory_space<vmem_shared>>) target_semaphore(%run_scoped3A : memref<!tpu.dma_semaphore, #tpu.memory_space<semaphore_mem>>)
        %dma_wait3A_77 = arith.constant 9360 : i32
        %dma_wait3A_78 = arith.constant 0 : i32
        %dma_wait3A_79 = tpu.memref_slice %arg21[%dma_wait3A_77, %dma_wait3A_78] : memref<10000x128xf32, #tpu.memory_space<vmem_shared>> -> memref<640x128xf32, #tpu.memory_space<vmem_shared>>
        %dma_wait3A_80 = arith.constant 9360 : i32
        %dma_wait3A_81 = arith.constant 0 : i32
        %dma_wait3A_82 = tpu.memref_slice %arg2[%dma_wait3A_80, %dma_wait3A_81] : memref<10000x128xf32, #tpu.memory_space<hbm>> -> memref<640x128xf32, #tpu.memory_space<hbm>>
        tpu.wait_dma2 semaphore(%run_scoped3A : memref<!tpu.dma_semaphore, #tpu.memory_space<semaphore_mem>>) src(%dma_wait3A_82 : memref<640x128xf32, #tpu.memory_space<hbm>>) dst(%dma_wait3A_79 : memref<640x128xf32, #tpu.memory_space<vmem_shared>>)
        tpu.yield
      }) : () -> ()
    } else {
    }
    %ne3A = arith.constant 0 : i32
    %ne3A_14 = arith.cmpi ne, %arg0, %ne3A : i32
    %lt3A_15 = arith.constant 15 : i32
    %lt3A_16 = arith.cmpi slt, %arg1, %lt3A_15 : i32
    %and3A_17 = arith.andi %ne3A_14, %lt3A_16 : i1
    %convert_element_type3A_18 = arith.extui %and3A_17 : i1 to i32
    %cond3A_19 = arith.constant 0 : i32
    %cond3A_20 = arith.cmpi ne, %convert_element_type3A_18, %cond3A_19 : i32
    scf.if %cond3A_20 {
      "tpu.region"() ({
        %run_scoped3A = tpu.sem_alloc : memref<!tpu.dma_semaphore, #tpu.memory_space<semaphore_mem>>
        %dma_start3A_71 = arith.constant 0 : i32
        %dma_start3A_72 = tpu.memref_slice %arg21[%mul3A_2, %dma_start3A_71] : memref<10000x128xf32, #tpu.memory_space<vmem_shared>> -> memref<624x128xf32, #tpu.memory_space<vmem_shared>>
        %dma_start3A_73 = arith.constant 0 : i32
        %dma_start3A_74 = tpu.memref_slice %arg5[%mul3A_2, %dma_start3A_73] : memref<10000x128xf32, #tpu.memory_space<hbm>> -> memref<624x128xf32, #tpu.memory_space<hbm>>
        tpu.enqueue_dma source(%dma_start3A_74 : memref<624x128xf32, #tpu.memory_space<hbm>>) target(%dma_start3A_72 : memref<624x128xf32, #tpu.memory_space<vmem_shared>>) target_semaphore(%run_scoped3A : memref<!tpu.dma_semaphore, #tpu.memory_space<semaphore_mem>>)
        %dma_wait3A_75 = arith.constant 0 : i32
        %dma_wait3A_76 = tpu.memref_slice %arg21[%mul3A_2, %dma_wait3A_75] : memref<10000x128xf32, #tpu.memory_space<vmem_shared>> -> memref<624x128xf32, #tpu.memory_space<vmem_shared>>
        %dma_wait3A_77 = arith.constant 0 : i32
        %dma_wait3A_78 = tpu.memref_slice %arg5[%mul3A_2, %dma_wait3A_77] : memref<10000x128xf32, #tpu.memory_space<hbm>> -> memref<624x128xf32, #tpu.memory_space<hbm>>
        tpu.wait_dma2 semaphore(%run_scoped3A : memref<!tpu.dma_semaphore, #tpu.memory_space<semaphore_mem>>) src(%dma_wait3A_78 : memref<624x128xf32, #tpu.memory_space<hbm>>) dst(%dma_wait3A_76 : memref<624x128xf32, #tpu.memory_space<vmem_shared>>)
        tpu.yield
      }) : () -> ()
    } else {
    }
    %ne3A_21 = arith.constant 0 : i32
    %ne3A_22 = arith.cmpi ne, %arg0, %ne3A_21 : i32
    %eq3A_23 = arith.constant 15 : i32
    %eq3A_24 = arith.cmpi eq, %arg1, %eq3A_23 : i32
    %and3A_25 = arith.andi %ne3A_22, %eq3A_24 : i1
    %convert_element_type3A_26 = arith.extui %and3A_25 : i1 to i32
    %cond3A_27 = arith.constant 0 : i32
    %cond3A_28 = arith.cmpi ne, %convert_element_type3A_26, %cond3A_27 : i32
    scf.if %cond3A_28 {
      "tpu.region"() ({
        %run_scoped3A = tpu.sem_alloc : memref<!tpu.dma_semaphore, #tpu.memory_space<semaphore_mem>>
        %dma_start3A_71 = arith.constant 9360 : i32
        %dma_start3A_72 = arith.constant 0 : i32
        %dma_start3A_73 = tpu.memref_slice %arg21[%dma_start3A_71, %dma_start3A_72] : memref<10000x128xf32, #tpu.memory_space<vmem_shared>> -> memref<640x128xf32, #tpu.memory_space<vmem_shared>>
        %dma_start3A_74 = arith.constant 9360 : i32
        %dma_start3A_75 = arith.constant 0 : i32
        %dma_start3A_76 = tpu.memref_slice %arg5[%dma_start3A_74, %dma_start3A_75] : memref<10000x128xf32, #tpu.memory_space<hbm>> -> memref<640x128xf32, #tpu.memory_space<hbm>>
        tpu.enqueue_dma source(%dma_start3A_76 : memref<640x128xf32, #tpu.memory_space<hbm>>) target(%dma_start3A_73 : memref<640x128xf32, #tpu.memory_space<vmem_shared>>) target_semaphore(%run_scoped3A : memref<!tpu.dma_semaphore, #tpu.memory_space<semaphore_mem>>)
        %dma_wait3A_77 = arith.constant 9360 : i32
        %dma_wait3A_78 = arith.constant 0 : i32
        %dma_wait3A_79 = tpu.memref_slice %arg21[%dma_wait3A_77, %dma_wait3A_78] : memref<10000x128xf32, #tpu.memory_space<vmem_shared>> -> memref<640x128xf32, #tpu.memory_space<vmem_shared>>
        %dma_wait3A_80 = arith.constant 9360 : i32
        %dma_wait3A_81 = arith.constant 0 : i32
        %dma_wait3A_82 = tpu.memref_slice %arg5[%dma_wait3A_80, %dma_wait3A_81] : memref<10000x128xf32, #tpu.memory_space<hbm>> -> memref<640x128xf32, #tpu.memory_space<hbm>>
        tpu.wait_dma2 semaphore(%run_scoped3A : memref<!tpu.dma_semaphore, #tpu.memory_space<semaphore_mem>>) src(%dma_wait3A_82 : memref<640x128xf32, #tpu.memory_space<hbm>>) dst(%dma_wait3A_79 : memref<640x128xf32, #tpu.memory_space<vmem_shared>>)
        tpu.yield
      }) : () -> ()
    } else {
    }
    %barrier3A = arith.constant 0 : index
    tpu.barrier barrier_id(%barrier3A)
    %scan3A = arith.constant 0 : i32
    %scan3A_29 = arith.constant 0 : i32
    %scan3A_30 = arith.constant 26 : i32
    %scan3A_31 = arith.addi %scan3A_29, %scan3A_30 : i32
    %scan3A_32 = arith.constant 1 : i32
    scf.for %scan3A_71 = %scan3A_29 to %scan3A_31 step %scan3A_32  : i32 {
      %mul3A_72 = arith.constant 10000 : i32
      %mul3A_73 = arith.muli %add3A, %mul3A_72 : i32
      %mul3A_74 = arith.constant 4 : i32
      %mul3A_75 = arith.muli %scan3A_71, %mul3A_74 : i32
      %mul3A_76 = arith.constant 96 : i32
      %mul3A_77 = arith.muli %mul3A_75, %mul3A_76 : i32
      %add3A_78 = arith.addi %mul3A_73, %mul3A_77 : i32
      %gt3A = arith.constant 0 : i32
      %gt3A_79 = arith.cmpi sgt, %scan3A_71, %gt3A : i32
      %convert_element_type3A_80 = arith.extui %gt3A_79 : i1 to i32
      %cond3A_81 = arith.constant 0 : i32
      %cond3A_82 = arith.cmpi ne, %convert_element_type3A_80, %cond3A_81 : i32
      scf.if %cond3A_82 {
        %dma_wait3A_190 = arith.constant 0 : i32
        %dma_wait3A_191 = arith.constant 0 : i32
        %dma_wait3A_192 = tpu.memref_slice %arg21[%dma_wait3A_190, %dma_wait3A_191] : memref<10000x128xf32, #tpu.memory_space<vmem_shared>> -> memref<10000x128xf32, #tpu.memory_space<vmem_shared>>
        tpu.wait_indirect_dma semaphore(%arg34 : memref<!tpu.dma_semaphore, #tpu.memory_space<semaphore_mem>>) src(%arg15 : memref<96x128xf32, #tpu.memory_space<vmem>>) dst(%dma_wait3A_192 : memref<10000x128xf32, #tpu.memory_space<vmem_shared>>)
      } else {
      }
      %add3A_83 = arith.constant 0 : i32
      %add3A_84 = arith.addi %add3A_78, %add3A_83 : i32
      %dma_start3A_85 = tpu.memref_slice %arg3[%add3A_84] : memref<320000xi32, #tpu.memory_space<hbm>> -> memref<96xi32, #tpu.memory_space<hbm>>
      %dma_start3A_86 = tpu.memref_slice %arg3[%add3A_84] : memref<320000xi32, #tpu.memory_space<hbm>> -> memref<96xi32, #tpu.memory_space<hbm>>
      tpu.enqueue_dma source(%dma_start3A_86 : memref<96xi32, #tpu.memory_space<hbm>>) target(%arg7 : memref<96xi32, #tpu.memory_space<vmem>>) target_semaphore(%arg22 : memref<!tpu.dma_semaphore, #tpu.memory_space<semaphore_mem>>)
      %dma_start3A_87 = tpu.memref_slice %arg4[%add3A_84] : memref<320000xi32, #tpu.memory_space<hbm>> -> memref<96xi32, #tpu.memory_space<hbm>>
      %dma_start3A_88 = tpu.memref_slice %arg4[%add3A_84] : memref<320000xi32, #tpu.memory_space<hbm>> -> memref<96xi32, #tpu.memory_space<hbm>>
      tpu.enqueue_dma source(%dma_start3A_88 : memref<96xi32, #tpu.memory_space<hbm>>) target(%arg11 : memref<96xi32, #tpu.memory_space<vmem>>) target_semaphore(%arg26 : memref<!tpu.dma_semaphore, #tpu.memory_space<semaphore_mem>>)
      %gt3A_89 = arith.constant 0 : i32
      %gt3A_90 = arith.cmpi sgt, %scan3A_71, %gt3A_89 : i32
      %convert_element_type3A_91 = arith.extui %gt3A_90 : i1 to i32
      %cond3A_92 = arith.constant 0 : i32
      %cond3A_93 = arith.cmpi ne, %convert_element_type3A_91, %cond3A_92 : i32
      scf.if %cond3A_93 {
        %dma_wait3A_190 = arith.constant 0 : i32
        %dma_wait3A_191 = arith.constant 0 : i32
        %dma_wait3A_192 = tpu.memref_slice %arg21[%dma_wait3A_190, %dma_wait3A_191] : memref<10000x128xf32, #tpu.memory_space<vmem_shared>> -> memref<10000x128xf32, #tpu.memory_space<vmem_shared>>
        tpu.wait_indirect_dma semaphore(%arg35 : memref<!tpu.dma_semaphore, #tpu.memory_space<semaphore_mem>>) src(%arg16 : memref<96x128xf32, #tpu.memory_space<vmem>>) dst(%dma_wait3A_192 : memref<10000x128xf32, #tpu.memory_space<vmem_shared>>)
      } else {
      }
      %add3A_94 = arith.constant 96 : i32
      %add3A_95 = arith.addi %add3A_78, %add3A_94 : i32
      %dma_start3A_96 = tpu.memref_slice %arg3[%add3A_95] : memref<320000xi32, #tpu.memory_space<hbm>> -> memref<96xi32, #tpu.memory_space<hbm>>
      %dma_start3A_97 = tpu.memref_slice %arg3[%add3A_95] : memref<320000xi32, #tpu.memory_space<hbm>> -> memref<96xi32, #tpu.memory_space<hbm>>
      tpu.enqueue_dma source(%dma_start3A_97 : memref<96xi32, #tpu.memory_space<hbm>>) target(%arg8 : memref<96xi32, #tpu.memory_space<vmem>>) target_semaphore(%arg23 : memref<!tpu.dma_semaphore, #tpu.memory_space<semaphore_mem>>)
      %dma_start3A_98 = tpu.memref_slice %arg4[%add3A_95] : memref<320000xi32, #tpu.memory_space<hbm>> -> memref<96xi32, #tpu.memory_space<hbm>>
      %dma_start3A_99 = tpu.memref_slice %arg4[%add3A_95] : memref<320000xi32, #tpu.memory_space<hbm>> -> memref<96xi32, #tpu.memory_space<hbm>>
      tpu.enqueue_dma source(%dma_start3A_99 : memref<96xi32, #tpu.memory_space<hbm>>) target(%arg12 : memref<96xi32, #tpu.memory_space<vmem>>) target_semaphore(%arg27 : memref<!tpu.dma_semaphore, #tpu.memory_space<semaphore_mem>>)
      %dma_wait3A_100 = arith.constant 0 : i32
      %dma_wait3A_101 = tpu.memref_slice %arg3[%dma_wait3A_100] : memref<320000xi32, #tpu.memory_space<hbm>> -> memref<96xi32, #tpu.memory_space<hbm>>
      %dma_wait3A_102 = arith.constant 0 : i32
      %dma_wait3A_103 = tpu.memref_slice %arg3[%dma_wait3A_102] : memref<320000xi32, #tpu.memory_space<hbm>> -> memref<96xi32, #tpu.memory_space<hbm>>
      tpu.wait_dma2 semaphore(%arg22 : memref<!tpu.dma_semaphore, #tpu.memory_space<semaphore_mem>>) src(%dma_wait3A_103 : memref<96xi32, #tpu.memory_space<hbm>>) dst(%arg7 : memref<96xi32, #tpu.memory_space<vmem>>)
      %dma_start3A_104 = arith.constant 0 : i32
      %dma_start3A_105 = arith.constant 0 : i32
      %dma_start3A_106 = tpu.memref_slice %arg2[%dma_start3A_104, %dma_start3A_105] : memref<10000x128xf32, #tpu.memory_space<hbm>> -> memref<10000x128xf32, #tpu.memory_space<hbm>>
      tpu.enqueue_indirect_dma source(%dma_start3A_106 : memref<10000x128xf32, #tpu.memory_space<hbm>>) target(%arg15 : memref<96x128xf32, #tpu.memory_space<vmem>>) offsets(%arg7 : memref<96xi32, #tpu.memory_space<vmem>>) semaphore(%arg30 : memref<!tpu.dma_semaphore, #tpu.memory_space<semaphore_mem>>)
      %dma_wait3A_107 = arith.constant 0 : i32
      %dma_wait3A_108 = tpu.memref_slice %arg3[%dma_wait3A_107] : memref<320000xi32, #tpu.memory_space<hbm>> -> memref<96xi32, #tpu.memory_space<hbm>>
      %dma_wait3A_109 = arith.constant 0 : i32
      %dma_wait3A_110 = tpu.memref_slice %arg3[%dma_wait3A_109] : memref<320000xi32, #tpu.memory_space<hbm>> -> memref<96xi32, #tpu.memory_space<hbm>>
      tpu.wait_dma2 semaphore(%arg23 : memref<!tpu.dma_semaphore, #tpu.memory_space<semaphore_mem>>) src(%dma_wait3A_110 : memref<96xi32, #tpu.memory_space<hbm>>) dst(%arg8 : memref<96xi32, #tpu.memory_space<vmem>>)
      %dma_start3A_111 = arith.constant 0 : i32
      %dma_start3A_112 = arith.constant 0 : i32
      %dma_start3A_113 = tpu.memref_slice %arg2[%dma_start3A_111, %dma_start3A_112] : memref<10000x128xf32, #tpu.memory_space<hbm>> -> memref<10000x128xf32, #tpu.memory_space<hbm>>
      tpu.enqueue_indirect_dma source(%dma_start3A_113 : memref<10000x128xf32, #tpu.memory_space<hbm>>) target(%arg16 : memref<96x128xf32, #tpu.memory_space<vmem>>) offsets(%arg8 : memref<96xi32, #tpu.memory_space<vmem>>) semaphore(%arg31 : memref<!tpu.dma_semaphore, #tpu.memory_space<semaphore_mem>>)
      %gt3A_114 = arith.constant 0 : i32
      %gt3A_115 = arith.cmpi sgt, %scan3A_71, %gt3A_114 : i32
      %convert_element_type3A_116 = arith.extui %gt3A_115 : i1 to i32
      %cond3A_117 = arith.constant 0 : i32
      %cond3A_118 = arith.cmpi ne, %convert_element_type3A_116, %cond3A_117 : i32
      scf.if %cond3A_118 {
        %dma_wait3A_190 = arith.constant 0 : i32
        %dma_wait3A_191 = arith.constant 0 : i32
        %dma_wait3A_192 = tpu.memref_slice %arg21[%dma_wait3A_190, %dma_wait3A_191] : memref<10000x128xf32, #tpu.memory_space<vmem_shared>> -> memref<10000x128xf32, #tpu.memory_space<vmem_shared>>
        tpu.wait_indirect_dma semaphore(%arg36 : memref<!tpu.dma_semaphore, #tpu.memory_space<semaphore_mem>>) src(%arg17 : memref<96x128xf32, #tpu.memory_space<vmem>>) dst(%dma_wait3A_192 : memref<10000x128xf32, #tpu.memory_space<vmem_shared>>)
      } else {
      }
      %add3A_119 = arith.constant 192 : i32
      %add3A_120 = arith.addi %add3A_78, %add3A_119 : i32
      %dma_start3A_121 = tpu.memref_slice %arg3[%add3A_120] : memref<320000xi32, #tpu.memory_space<hbm>> -> memref<96xi32, #tpu.memory_space<hbm>>
      %dma_start3A_122 = tpu.memref_slice %arg3[%add3A_120] : memref<320000xi32, #tpu.memory_space<hbm>> -> memref<96xi32, #tpu.memory_space<hbm>>
      tpu.enqueue_dma source(%dma_start3A_122 : memref<96xi32, #tpu.memory_space<hbm>>) target(%arg9 : memref<96xi32, #tpu.memory_space<vmem>>) target_semaphore(%arg24 : memref<!tpu.dma_semaphore, #tpu.memory_space<semaphore_mem>>)
      %dma_start3A_123 = tpu.memref_slice %arg4[%add3A_120] : memref<320000xi32, #tpu.memory_space<hbm>> -> memref<96xi32, #tpu.memory_space<hbm>>
      %dma_start3A_124 = tpu.memref_slice %arg4[%add3A_120] : memref<320000xi32, #tpu.memory_space<hbm>> -> memref<96xi32, #tpu.memory_space<hbm>>
      tpu.enqueue_dma source(%dma_start3A_124 : memref<96xi32, #tpu.memory_space<hbm>>) target(%arg13 : memref<96xi32, #tpu.memory_space<vmem>>) target_semaphore(%arg28 : memref<!tpu.dma_semaphore, #tpu.memory_space<semaphore_mem>>)
      %gt3A_125 = arith.constant 0 : i32
      %gt3A_126 = arith.cmpi sgt, %scan3A_71, %gt3A_125 : i32
      %convert_element_type3A_127 = arith.extui %gt3A_126 : i1 to i32
      %cond3A_128 = arith.constant 0 : i32
      %cond3A_129 = arith.cmpi ne, %convert_element_type3A_127, %cond3A_128 : i32
      scf.if %cond3A_129 {
        %dma_wait3A_190 = arith.constant 0 : i32
        %dma_wait3A_191 = arith.constant 0 : i32
        %dma_wait3A_192 = tpu.memref_slice %arg21[%dma_wait3A_190, %dma_wait3A_191] : memref<10000x128xf32, #tpu.memory_space<vmem_shared>> -> memref<10000x128xf32, #tpu.memory_space<vmem_shared>>
        tpu.wait_indirect_dma semaphore(%arg37 : memref<!tpu.dma_semaphore, #tpu.memory_space<semaphore_mem>>) src(%arg18 : memref<96x128xf32, #tpu.memory_space<vmem>>) dst(%dma_wait3A_192 : memref<10000x128xf32, #tpu.memory_space<vmem_shared>>)
      } else {
      }
      %add3A_130 = arith.constant 288 : i32
      %add3A_131 = arith.addi %add3A_78, %add3A_130 : i32
      %dma_start3A_132 = tpu.memref_slice %arg3[%add3A_131] : memref<320000xi32, #tpu.memory_space<hbm>> -> memref<96xi32, #tpu.memory_space<hbm>>
      %dma_start3A_133 = tpu.memref_slice %arg3[%add3A_131] : memref<320000xi32, #tpu.memory_space<hbm>> -> memref<96xi32, #tpu.memory_space<hbm>>
      tpu.enqueue_dma source(%dma_start3A_133 : memref<96xi32, #tpu.memory_space<hbm>>) target(%arg10 : memref<96xi32, #tpu.memory_space<vmem>>) target_semaphore(%arg25 : memref<!tpu.dma_semaphore, #tpu.memory_space<semaphore_mem>>)
      %dma_start3A_134 = tpu.memref_slice %arg4[%add3A_131] : memref<320000xi32, #tpu.memory_space<hbm>> -> memref<96xi32, #tpu.memory_space<hbm>>
      %dma_start3A_135 = tpu.memref_slice %arg4[%add3A_131] : memref<320000xi32, #tpu.memory_space<hbm>> -> memref<96xi32, #tpu.memory_space<hbm>>
      tpu.enqueue_dma source(%dma_start3A_135 : memref<96xi32, #tpu.memory_space<hbm>>) target(%arg14 : memref<96xi32, #tpu.memory_space<vmem>>) target_semaphore(%arg29 : memref<!tpu.dma_semaphore, #tpu.memory_space<semaphore_mem>>)
      %dma_wait3A_136 = arith.constant 0 : i32
      %dma_wait3A_137 = arith.constant 0 : i32
      %dma_wait3A_138 = tpu.memref_slice %arg2[%dma_wait3A_136, %dma_wait3A_137] : memref<10000x128xf32, #tpu.memory_space<hbm>> -> memref<10000x128xf32, #tpu.memory_space<hbm>>
      tpu.wait_indirect_dma semaphore(%arg30 : memref<!tpu.dma_semaphore, #tpu.memory_space<semaphore_mem>>) src(%dma_wait3A_138 : memref<10000x128xf32, #tpu.memory_space<hbm>>) dst(%arg15 : memref<96x128xf32, #tpu.memory_space<vmem>>)
      %dma_wait3A_139 = arith.constant 0 : i32
      %dma_wait3A_140 = tpu.memref_slice %arg4[%dma_wait3A_139] : memref<320000xi32, #tpu.memory_space<hbm>> -> memref<96xi32, #tpu.memory_space<hbm>>
      %dma_wait3A_141 = arith.constant 0 : i32
      %dma_wait3A_142 = tpu.memref_slice %arg4[%dma_wait3A_141] : memref<320000xi32, #tpu.memory_space<hbm>> -> memref<96xi32, #tpu.memory_space<hbm>>
      tpu.wait_dma2 semaphore(%arg26 : memref<!tpu.dma_semaphore, #tpu.memory_space<semaphore_mem>>) src(%dma_wait3A_142 : memref<96xi32, #tpu.memory_space<hbm>>) dst(%arg11 : memref<96xi32, #tpu.memory_space<vmem>>)
      %dma_start3A_143 = arith.constant 0 : i32
      %dma_start3A_144 = arith.constant 0 : i32
      %dma_start3A_145 = tpu.memref_slice %arg21[%dma_start3A_143, %dma_start3A_144] : memref<10000x128xf32, #tpu.memory_space<vmem_shared>> -> memref<10000x128xf32, #tpu.memory_space<vmem_shared>>
      tpu.enqueue_indirect_dma source(%arg15 : memref<96x128xf32, #tpu.memory_space<vmem>>) target(%dma_start3A_145 : memref<10000x128xf32, #tpu.memory_space<vmem_shared>>) offsets(%arg11 : memref<96xi32, #tpu.memory_space<vmem>>) semaphore(%arg34 : memref<!tpu.dma_semaphore, #tpu.memory_space<semaphore_mem>>) {add = true}
      %dma_wait3A_146 = arith.constant 0 : i32
      %dma_wait3A_147 = arith.constant 0 : i32
      %dma_wait3A_148 = tpu.memref_slice %arg2[%dma_wait3A_146, %dma_wait3A_147] : memref<10000x128xf32, #tpu.memory_space<hbm>> -> memref<10000x128xf32, #tpu.memory_space<hbm>>
      tpu.wait_indirect_dma semaphore(%arg31 : memref<!tpu.dma_semaphore, #tpu.memory_space<semaphore_mem>>) src(%dma_wait3A_148 : memref<10000x128xf32, #tpu.memory_space<hbm>>) dst(%arg16 : memref<96x128xf32, #tpu.memory_space<vmem>>)
      %dma_wait3A_149 = arith.constant 0 : i32
      %dma_wait3A_150 = tpu.memref_slice %arg4[%dma_wait3A_149] : memref<320000xi32, #tpu.memory_space<hbm>> -> memref<96xi32, #tpu.memory_space<hbm>>
      %dma_wait3A_151 = arith.constant 0 : i32
      %dma_wait3A_152 = tpu.memref_slice %arg4[%dma_wait3A_151] : memref<320000xi32, #tpu.memory_space<hbm>> -> memref<96xi32, #tpu.memory_space<hbm>>
      tpu.wait_dma2 semaphore(%arg27 : memref<!tpu.dma_semaphore, #tpu.memory_space<semaphore_mem>>) src(%dma_wait3A_152 : memref<96xi32, #tpu.memory_space<hbm>>) dst(%arg12 : memref<96xi32, #tpu.memory_space<vmem>>)
      %dma_start3A_153 = arith.constant 0 : i32
      %dma_start3A_154 = arith.constant 0 : i32
      %dma_start3A_155 = tpu.memref_slice %arg21[%dma_start3A_153, %dma_start3A_154] : memref<10000x128xf32, #tpu.memory_space<vmem_shared>> -> memref<10000x128xf32, #tpu.memory_space<vmem_shared>>
      tpu.enqueue_indirect_dma source(%arg16 : memref<96x128xf32, #tpu.memory_space<vmem>>) target(%dma_start3A_155 : memref<10000x128xf32, #tpu.memory_space<vmem_shared>>) offsets(%arg12 : memref<96xi32, #tpu.memory_space<vmem>>) semaphore(%arg35 : memref<!tpu.dma_semaphore, #tpu.memory_space<semaphore_mem>>) {add = true}
      %dma_wait3A_156 = arith.constant 0 : i32
      %dma_wait3A_157 = tpu.memref_slice %arg3[%dma_wait3A_156] : memref<320000xi32, #tpu.memory_space<hbm>> -> memref<96xi32, #tpu.memory_space<hbm>>
      %dma_wait3A_158 = arith.constant 0 : i32
      %dma_wait3A_159 = tpu.memref_slice %arg3[%dma_wait3A_158] : memref<320000xi32, #tpu.memory_space<hbm>> -> memref<96xi32, #tpu.memory_space<hbm>>
      tpu.wait_dma2 semaphore(%arg24 : memref<!tpu.dma_semaphore, #tpu.memory_space<semaphore_mem>>) src(%dma_wait3A_159 : memref<96xi32, #tpu.memory_space<hbm>>) dst(%arg9 : memref<96xi32, #tpu.memory_space<vmem>>)
      %dma_start3A_160 = arith.constant 0 : i32
      %dma_start3A_161 = arith.constant 0 : i32
      %dma_start3A_162 = tpu.memref_slice %arg2[%dma_start3A_160, %dma_start3A_161] : memref<10000x128xf32, #tpu.memory_space<hbm>> -> memref<10000x128xf32, #tpu.memory_space<hbm>>
      tpu.enqueue_indirect_dma source(%dma_start3A_162 : memref<10000x128xf32, #tpu.memory_space<hbm>>) target(%arg17 : memref<96x128xf32, #tpu.memory_space<vmem>>) offsets(%arg9 : memref<96xi32, #tpu.memory_space<vmem>>) semaphore(%arg32 : memref<!tpu.dma_semaphore, #tpu.memory_space<semaphore_mem>>)
      %dma_wait3A_163 = arith.constant 0 : i32
      %dma_wait3A_164 = tpu.memref_slice %arg3[%dma_wait3A_163] : memref<320000xi32, #tpu.memory_space<hbm>> -> memref<96xi32, #tpu.memory_space<hbm>>
      %dma_wait3A_165 = arith.constant 0 : i32
      %dma_wait3A_166 = tpu.memref_slice %arg3[%dma_wait3A_165] : memref<320000xi32, #tpu.memory_space<hbm>> -> memref<96xi32, #tpu.memory_space<hbm>>
      tpu.wait_dma2 semaphore(%arg25 : memref<!tpu.dma_semaphore, #tpu.memory_space<semaphore_mem>>) src(%dma_wait3A_166 : memref<96xi32, #tpu.memory_space<hbm>>) dst(%arg10 : memref<96xi32, #tpu.memory_space<vmem>>)
      %dma_start3A_167 = arith.constant 0 : i32
      %dma_start3A_168 = arith.constant 0 : i32
      %dma_start3A_169 = tpu.memref_slice %arg2[%dma_start3A_167, %dma_start3A_168] : memref<10000x128xf32, #tpu.memory_space<hbm>> -> memref<10000x128xf32, #tpu.memory_space<hbm>>
      tpu.enqueue_indirect_dma source(%dma_start3A_169 : memref<10000x128xf32, #tpu.memory_space<hbm>>) target(%arg18 : memref<96x128xf32, #tpu.memory_space<vmem>>) offsets(%arg10 : memref<96xi32, #tpu.memory_space<vmem>>) semaphore(%arg33 : memref<!tpu.dma_semaphore, #tpu.memory_space<semaphore_mem>>)
      %dma_wait3A_170 = arith.constant 0 : i32
      %dma_wait3A_171 = arith.constant 0 : i32
      %dma_wait3A_172 = tpu.memref_slice %arg2[%dma_wait3A_170, %dma_wait3A_171] : memref<10000x128xf32, #tpu.memory_space<hbm>> -> memref<10000x128xf32, #tpu.memory_space<hbm>>
      tpu.wait_indirect_dma semaphore(%arg32 : memref<!tpu.dma_semaphore, #tpu.memory_space<semaphore_mem>>) src(%dma_wait3A_172 : memref<10000x128xf32, #tpu.memory_space<hbm>>) dst(%arg17 : memref<96x128xf32, #tpu.memory_space<vmem>>)
      %dma_wait3A_173 = arith.constant 0 : i32
      %dma_wait3A_174 = tpu.memref_slice %arg4[%dma_wait3A_173] : memref<320000xi32, #tpu.memory_space<hbm>> -> memref<96xi32, #tpu.memory_space<hbm>>
      %dma_wait3A_175 = arith.constant 0 : i32
      %dma_wait3A_176 = tpu.memref_slice %arg4[%dma_wait3A_175] : memref<320000xi32, #tpu.memory_space<hbm>> -> memref<96xi32, #tpu.memory_space<hbm>>
      tpu.wait_dma2 semaphore(%arg28 : memref<!tpu.dma_semaphore, #tpu.memory_space<semaphore_mem>>) src(%dma_wait3A_176 : memref<96xi32, #tpu.memory_space<hbm>>) dst(%arg13 : memref<96xi32, #tpu.memory_space<vmem>>)
      %dma_start3A_177 = arith.constant 0 : i32
      %dma_start3A_178 = arith.constant 0 : i32
      %dma_start3A_179 = tpu.memref_slice %arg21[%dma_start3A_177, %dma_start3A_178] : memref<10000x128xf32, #tpu.memory_space<vmem_shared>> -> memref<10000x128xf32, #tpu.memory_space<vmem_shared>>
      tpu.enqueue_indirect_dma source(%arg17 : memref<96x128xf32, #tpu.memory_space<vmem>>) target(%dma_start3A_179 : memref<10000x128xf32, #tpu.memory_space<vmem_shared>>) offsets(%arg13 : memref<96xi32, #tpu.memory_space<vmem>>) semaphore(%arg36 : memref<!tpu.dma_semaphore, #tpu.memory_space<semaphore_mem>>) {add = true}
      %dma_wait3A_180 = arith.constant 0 : i32
      %dma_wait3A_181 = arith.constant 0 : i32
      %dma_wait3A_182 = tpu.memref_slice %arg2[%dma_wait3A_180, %dma_wait3A_181] : memref<10000x128xf32, #tpu.memory_space<hbm>> -> memref<10000x128xf32, #tpu.memory_space<hbm>>
      tpu.wait_indirect_dma semaphore(%arg33 : memref<!tpu.dma_semaphore, #tpu.memory_space<semaphore_mem>>) src(%dma_wait3A_182 : memref<10000x128xf32, #tpu.memory_space<hbm>>) dst(%arg18 : memref<96x128xf32, #tpu.memory_space<vmem>>)
      %dma_wait3A_183 = arith.constant 0 : i32
      %dma_wait3A_184 = tpu.memref_slice %arg4[%dma_wait3A_183] : memref<320000xi32, #tpu.memory_space<hbm>> -> memref<96xi32, #tpu.memory_space<hbm>>
      %dma_wait3A_185 = arith.constant 0 : i32
      %dma_wait3A_186 = tpu.memref_slice %arg4[%dma_wait3A_185] : memref<320000xi32, #tpu.memory_space<hbm>> -> memref<96xi32, #tpu.memory_space<hbm>>
      tpu.wait_dma2 semaphore(%arg29 : memref<!tpu.dma_semaphore, #tpu.memory_space<semaphore_mem>>) src(%dma_wait3A_186 : memref<96xi32, #tpu.memory_space<hbm>>) dst(%arg14 : memref<96xi32, #tpu.memory_space<vmem>>)
      %dma_start3A_187 = arith.constant 0 : i32
      %dma_start3A_188 = arith.constant 0 : i32
      %dma_start3A_189 = tpu.memref_slice %arg21[%dma_start3A_187, %dma_start3A_188] : memref<10000x128xf32, #tpu.memory_space<vmem_shared>> -> memref<10000x128xf32, #tpu.memory_space<vmem_shared>>
      tpu.enqueue_indirect_dma source(%arg18 : memref<96x128xf32, #tpu.memory_space<vmem>>) target(%dma_start3A_189 : memref<10000x128xf32, #tpu.memory_space<vmem_shared>>) offsets(%arg14 : memref<96xi32, #tpu.memory_space<vmem>>) semaphore(%arg37 : memref<!tpu.dma_semaphore, #tpu.memory_space<semaphore_mem>>) {add = true}
    }
    %scan3A_33 = arith.constant 26 : i32
    %dma_wait3A = arith.constant 0 : i32
    %dma_wait3A_34 = arith.constant 0 : i32
    %dma_wait3A_35 = tpu.memref_slice %arg21[%dma_wait3A, %dma_wait3A_34] : memref<10000x128xf32, #tpu.memory_space<vmem_shared>> -> memref<10000x128xf32, #tpu.memory_space<vmem_shared>>
    tpu.wait_indirect_dma semaphore(%arg34 : memref<!tpu.dma_semaphore, #tpu.memory_space<semaphore_mem>>) src(%arg15 : memref<96x128xf32, #tpu.memory_space<vmem>>) dst(%dma_wait3A_35 : memref<10000x128xf32, #tpu.memory_space<vmem_shared>>)
    %dma_wait3A_36 = arith.constant 0 : i32
    %dma_wait3A_37 = arith.constant 0 : i32
    %dma_wait3A_38 = tpu.memref_slice %arg21[%dma_wait3A_36, %dma_wait3A_37] : memref<10000x128xf32, #tpu.memory_space<vmem_shared>> -> memref<10000x128xf32, #tpu.memory_space<vmem_shared>>
    tpu.wait_indirect_dma semaphore(%arg35 : memref<!tpu.dma_semaphore, #tpu.memory_space<semaphore_mem>>) src(%arg16 : memref<96x128xf32, #tpu.memory_space<vmem>>) dst(%dma_wait3A_38 : memref<10000x128xf32, #tpu.memory_space<vmem_shared>>)
    %dma_wait3A_39 = arith.constant 0 : i32
    %dma_wait3A_40 = arith.constant 0 : i32
    %dma_wait3A_41 = tpu.memref_slice %arg21[%dma_wait3A_39, %dma_wait3A_40] : memref<10000x128xf32, #tpu.memory_space<vmem_shared>> -> memref<10000x128xf32, #tpu.memory_space<vmem_shared>>
    tpu.wait_indirect_dma semaphore(%arg36 : memref<!tpu.dma_semaphore, #tpu.memory_space<semaphore_mem>>) src(%arg17 : memref<96x128xf32, #tpu.memory_space<vmem>>) dst(%dma_wait3A_41 : memref<10000x128xf32, #tpu.memory_space<vmem_shared>>)
    %dma_wait3A_42 = arith.constant 0 : i32
    %dma_wait3A_43 = arith.constant 0 : i32
    %dma_wait3A_44 = tpu.memref_slice %arg21[%dma_wait3A_42, %dma_wait3A_43] : memref<10000x128xf32, #tpu.memory_space<vmem_shared>> -> memref<10000x128xf32, #tpu.memory_space<vmem_shared>>
    tpu.wait_indirect_dma semaphore(%arg37 : memref<!tpu.dma_semaphore, #tpu.memory_space<semaphore_mem>>) src(%arg18 : memref<96x128xf32, #tpu.memory_space<vmem>>) dst(%dma_wait3A_44 : memref<10000x128xf32, #tpu.memory_space<vmem_shared>>)
    %mul3A_45 = arith.constant 10000 : i32
    %mul3A_46 = arith.muli %add3A, %mul3A_45 : i32
    %add3A_47 = arith.constant 9984 : i32
    %add3A_48 = arith.addi %mul3A_46, %add3A_47 : i32
    "tpu.region"() ({
      %run_scoped3A = tpu.sem_alloc : memref<!tpu.dma_semaphore, #tpu.memory_space<semaphore_mem>>
      %dma_start3A_71 = tpu.memref_slice %arg3[%add3A_48] : memref<320000xi32, #tpu.memory_space<hbm>> -> memref<16xi32, #tpu.memory_space<hbm>>
      %dma_start3A_72 = tpu.memref_slice %arg3[%add3A_48] : memref<320000xi32, #tpu.memory_space<hbm>> -> memref<16xi32, #tpu.memory_space<hbm>>
      tpu.enqueue_dma source(%dma_start3A_72 : memref<16xi32, #tpu.memory_space<hbm>>) target(%arg19 : memref<16xi32, #tpu.memory_space<vmem>>) target_semaphore(%run_scoped3A : memref<!tpu.dma_semaphore, #tpu.memory_space<semaphore_mem>>)
      %dma_wait3A_73 = tpu.memref_slice %arg3[%add3A_48] : memref<320000xi32, #tpu.memory_space<hbm>> -> memref<16xi32, #tpu.memory_space<hbm>>
      %dma_wait3A_74 = tpu.memref_slice %arg3[%add3A_48] : memref<320000xi32, #tpu.memory_space<hbm>> -> memref<16xi32, #tpu.memory_space<hbm>>
      tpu.wait_dma2 semaphore(%run_scoped3A : memref<!tpu.dma_semaphore, #tpu.memory_space<semaphore_mem>>) src(%dma_wait3A_74 : memref<16xi32, #tpu.memory_space<hbm>>) dst(%arg19 : memref<16xi32, #tpu.memory_space<vmem>>)
      tpu.yield
    }) : () -> ()
    "tpu.region"() ({
      %run_scoped3A = tpu.sem_alloc : memref<!tpu.dma_semaphore, #tpu.memory_space<semaphore_mem>>
      %dma_start3A_71 = tpu.memref_slice %arg4[%add3A_48] : memref<320000xi32, #tpu.memory_space<hbm>> -> memref<16xi32, #tpu.memory_space<hbm>>
      %dma_start3A_72 = tpu.memref_slice %arg4[%add3A_48] : memref<320000xi32, #tpu.memory_space<hbm>> -> memref<16xi32, #tpu.memory_space<hbm>>
      tpu.enqueue_dma source(%dma_start3A_72 : memref<16xi32, #tpu.memory_space<hbm>>) target(%arg20 : memref<16xi32, #tpu.memory_space<vmem>>) target_semaphore(%run_scoped3A : memref<!tpu.dma_semaphore, #tpu.memory_space<semaphore_mem>>)
      %dma_wait3A_73 = tpu.memref_slice %arg4[%add3A_48] : memref<320000xi32, #tpu.memory_space<hbm>> -> memref<16xi32, #tpu.memory_space<hbm>>
      %dma_wait3A_74 = tpu.memref_slice %arg4[%add3A_48] : memref<320000xi32, #tpu.memory_space<hbm>> -> memref<16xi32, #tpu.memory_space<hbm>>
      tpu.wait_dma2 semaphore(%run_scoped3A : memref<!tpu.dma_semaphore, #tpu.memory_space<semaphore_mem>>) src(%dma_wait3A_74 : memref<16xi32, #tpu.memory_space<hbm>>) dst(%arg20 : memref<16xi32, #tpu.memory_space<vmem>>)
      tpu.yield
    }) : () -> ()
    %dma_start3A = arith.constant 0 : i32
    %dma_start3A_49 = arith.constant 0 : i32
    %dma_start3A_50 = tpu.memref_slice %arg15[%dma_start3A, %dma_start3A_49] : memref<96x128xf32, #tpu.memory_space<vmem>> -> memref<16x128xf32, #tpu.memory_space<vmem>>
    %dma_start3A_51 = arith.constant 0 : i32
    %dma_start3A_52 = arith.constant 0 : i32
    %dma_start3A_53 = tpu.memref_slice %arg2[%dma_start3A_51, %dma_start3A_52] : memref<10000x128xf32, #tpu.memory_space<hbm>> -> memref<10000x128xf32, #tpu.memory_space<hbm>>
    tpu.enqueue_indirect_dma source(%dma_start3A_53 : memref<10000x128xf32, #tpu.memory_space<hbm>>) target(%dma_start3A_50 : memref<16x128xf32, #tpu.memory_space<vmem>>) offsets(%arg19 : memref<16xi32, #tpu.memory_space<vmem>>) semaphore(%arg30 : memref<!tpu.dma_semaphore, #tpu.memory_space<semaphore_mem>>)
    %dma_wait3A_54 = arith.constant 0 : i32
    %dma_wait3A_55 = arith.constant 0 : i32
    %dma_wait3A_56 = tpu.memref_slice %arg15[%dma_wait3A_54, %dma_wait3A_55] : memref<96x128xf32, #tpu.memory_space<vmem>> -> memref<16x128xf32, #tpu.memory_space<vmem>>
    %dma_wait3A_57 = arith.constant 0 : i32
    %dma_wait3A_58 = arith.constant 0 : i32
    %dma_wait3A_59 = tpu.memref_slice %arg2[%dma_wait3A_57, %dma_wait3A_58] : memref<10000x128xf32, #tpu.memory_space<hbm>> -> memref<10000x128xf32, #tpu.memory_space<hbm>>
    tpu.wait_indirect_dma semaphore(%arg30 : memref<!tpu.dma_semaphore, #tpu.memory_space<semaphore_mem>>) src(%dma_wait3A_59 : memref<10000x128xf32, #tpu.memory_space<hbm>>) dst(%dma_wait3A_56 : memref<16x128xf32, #tpu.memory_space<vmem>>)
    "tpu.region"() ({
      %run_scoped3A = tpu.sem_alloc : memref<!tpu.dma_semaphore, #tpu.memory_space<semaphore_mem>>
      %dma_start3A_71 = arith.constant 0 : i32
      %dma_start3A_72 = arith.constant 0 : i32
      %dma_start3A_73 = tpu.memref_slice %arg15[%dma_start3A_71, %dma_start3A_72] : memref<96x128xf32, #tpu.memory_space<vmem>> -> memref<16x128xf32, #tpu.memory_space<vmem>>
      %dma_start3A_74 = arith.constant 0 : i32
      %dma_start3A_75 = arith.constant 0 : i32
      %dma_start3A_76 = tpu.memref_slice %arg21[%dma_start3A_74, %dma_start3A_75] : memref<10000x128xf32, #tpu.memory_space<vmem_shared>> -> memref<10000x128xf32, #tpu.memory_space<vmem_shared>>
      tpu.enqueue_indirect_dma source(%dma_start3A_73 : memref<16x128xf32, #tpu.memory_space<vmem>>) target(%dma_start3A_76 : memref<10000x128xf32, #tpu.memory_space<vmem_shared>>) offsets(%arg20 : memref<16xi32, #tpu.memory_space<vmem>>) semaphore(%run_scoped3A : memref<!tpu.dma_semaphore, #tpu.memory_space<semaphore_mem>>) {add = true}
      %dma_wait3A_77 = arith.constant 0 : i32
      %dma_wait3A_78 = arith.constant 0 : i32
      %dma_wait3A_79 = tpu.memref_slice %arg15[%dma_wait3A_77, %dma_wait3A_78] : memref<96x128xf32, #tpu.memory_space<vmem>> -> memref<16x128xf32, #tpu.memory_space<vmem>>
      %dma_wait3A_80 = arith.constant 0 : i32
      %dma_wait3A_81 = arith.constant 0 : i32
      %dma_wait3A_82 = tpu.memref_slice %arg21[%dma_wait3A_80, %dma_wait3A_81] : memref<10000x128xf32, #tpu.memory_space<vmem_shared>> -> memref<10000x128xf32, #tpu.memory_space<vmem_shared>>
      tpu.wait_indirect_dma semaphore(%run_scoped3A : memref<!tpu.dma_semaphore, #tpu.memory_space<semaphore_mem>>) src(%dma_wait3A_79 : memref<16x128xf32, #tpu.memory_space<vmem>>) dst(%dma_wait3A_82 : memref<10000x128xf32, #tpu.memory_space<vmem_shared>>)
      tpu.yield
    }) : () -> ()
    %barrier3A_60 = arith.constant 0 : index
    tpu.barrier barrier_id(%barrier3A_60)
    %lt3A_61 = arith.constant 15 : i32
    %lt3A_62 = arith.cmpi slt, %arg1, %lt3A_61 : i32
    %convert_element_type3A_63 = arith.extui %lt3A_62 : i1 to i32
    %cond3A_64 = arith.constant 0 : i32
    %cond3A_65 = arith.cmpi ne, %convert_element_type3A_63, %cond3A_64 : i32
    scf.if %cond3A_65 {
      "tpu.region"() ({
        %run_scoped3A = tpu.sem_alloc : memref<!tpu.dma_semaphore, #tpu.memory_space<semaphore_mem>>
        %dma_start3A_71 = arith.constant 0 : i32
        %dma_start3A_72 = tpu.memref_slice %arg6[%arg0, %mul3A_2, %dma_start3A_71] : memref<2x10000x128xf32, #tpu.memory_space<hbm>> -> memref<1x624x128xf32, #tpu.memory_space<hbm>>
        %dma_start3A_73 = tpu.memref_squeeze %dma_start3A_72 : memref<1x624x128xf32, #tpu.memory_space<hbm>> -> memref<624x128xf32, #tpu.memory_space<hbm>>
        %dma_start3A_74 = arith.constant 0 : i32
        %dma_start3A_75 = tpu.memref_slice %arg21[%mul3A_2, %dma_start3A_74] : memref<10000x128xf32, #tpu.memory_space<vmem_shared>> -> memref<624x128xf32, #tpu.memory_space<vmem_shared>>
        tpu.enqueue_dma source(%dma_start3A_75 : memref<624x128xf32, #tpu.memory_space<vmem_shared>>) target(%dma_start3A_73 : memref<624x128xf32, #tpu.memory_space<hbm>>) target_semaphore(%run_scoped3A : memref<!tpu.dma_semaphore, #tpu.memory_space<semaphore_mem>>)
        %dma_wait3A_76 = arith.constant 0 : i32
        %dma_wait3A_77 = tpu.memref_slice %arg6[%arg0, %mul3A_2, %dma_wait3A_76] : memref<2x10000x128xf32, #tpu.memory_space<hbm>> -> memref<1x624x128xf32, #tpu.memory_space<hbm>>
        %dma_wait3A_78 = tpu.memref_squeeze %dma_wait3A_77 : memref<1x624x128xf32, #tpu.memory_space<hbm>> -> memref<624x128xf32, #tpu.memory_space<hbm>>
        %dma_wait3A_79 = arith.constant 0 : i32
        %dma_wait3A_80 = tpu.memref_slice %arg21[%mul3A_2, %dma_wait3A_79] : memref<10000x128xf32, #tpu.memory_space<vmem_shared>> -> memref<624x128xf32, #tpu.memory_space<vmem_shared>>
        tpu.wait_dma2 semaphore(%run_scoped3A : memref<!tpu.dma_semaphore, #tpu.memory_space<semaphore_mem>>) src(%dma_wait3A_80 : memref<624x128xf32, #tpu.memory_space<vmem_shared>>) dst(%dma_wait3A_78 : memref<624x128xf32, #tpu.memory_space<hbm>>)
        tpu.yield
      }) : () -> ()
    } else {
    }
    %eq3A_66 = arith.constant 15 : i32
    %eq3A_67 = arith.cmpi eq, %arg1, %eq3A_66 : i32
    %convert_element_type3A_68 = arith.extui %eq3A_67 : i1 to i32
    %cond3A_69 = arith.constant 0 : i32
    %cond3A_70 = arith.cmpi ne, %convert_element_type3A_68, %cond3A_69 : i32
    scf.if %cond3A_70 {
      "tpu.region"() ({
        %run_scoped3A = tpu.sem_alloc : memref<!tpu.dma_semaphore, #tpu.memory_space<semaphore_mem>>
        %dma_start3A_71 = arith.constant 9360 : i32
        %dma_start3A_72 = arith.constant 0 : i32
        %dma_start3A_73 = tpu.memref_slice %arg6[%arg0, %dma_start3A_71, %dma_start3A_72] : memref<2x10000x128xf32, #tpu.memory_space<hbm>> -> memref<1x640x128xf32, #tpu.memory_space<hbm>>
        %dma_start3A_74 = tpu.memref_squeeze %dma_start3A_73 : memref<1x640x128xf32, #tpu.memory_space<hbm>> -> memref<640x128xf32, #tpu.memory_space<hbm>>
        %dma_start3A_75 = arith.constant 9360 : i32
        %dma_start3A_76 = arith.constant 0 : i32
        %dma_start3A_77 = tpu.memref_slice %arg21[%dma_start3A_75, %dma_start3A_76] : memref<10000x128xf32, #tpu.memory_space<vmem_shared>> -> memref<640x128xf32, #tpu.memory_space<vmem_shared>>
        tpu.enqueue_dma source(%dma_start3A_77 : memref<640x128xf32, #tpu.memory_space<vmem_shared>>) target(%dma_start3A_74 : memref<640x128xf32, #tpu.memory_space<hbm>>) target_semaphore(%run_scoped3A : memref<!tpu.dma_semaphore, #tpu.memory_space<semaphore_mem>>)
        %dma_wait3A_78 = arith.constant 9360 : i32
        %dma_wait3A_79 = arith.constant 0 : i32
        %dma_wait3A_80 = tpu.memref_slice %arg6[%arg0, %dma_wait3A_78, %dma_wait3A_79] : memref<2x10000x128xf32, #tpu.memory_space<hbm>> -> memref<1x640x128xf32, #tpu.memory_space<hbm>>
        %dma_wait3A_81 = tpu.memref_squeeze %dma_wait3A_80 : memref<1x640x128xf32, #tpu.memory_space<hbm>> -> memref<640x128xf32, #tpu.memory_space<hbm>>
        %dma_wait3A_82 = arith.constant 9360 : i32
        %dma_wait3A_83 = arith.constant 0 : i32
        %dma_wait3A_84 = tpu.memref_slice %arg21[%dma_wait3A_82, %dma_wait3A_83] : memref<10000x128xf32, #tpu.memory_space<vmem_shared>> -> memref<640x128xf32, #tpu.memory_space<vmem_shared>>
        tpu.wait_dma2 semaphore(%run_scoped3A : memref<!tpu.dma_semaphore, #tpu.memory_space<semaphore_mem>>) src(%dma_wait3A_84 : memref<640x128xf32, #tpu.memory_space<vmem_shared>>) dst(%dma_wait3A_81 : memref<640x128xf32, #tpu.memory_space<hbm>>)
        tpu.yield
      }) : () -> ()
    } else {
    }
    return
  }
}

#map = affine_map<(d0, d1) -> (0, 0)>
#map1 = affine_map<(d0, d1) -> (0)>
#map2 = affine_map<(d0, d1) -> (0, 0, 0)>
module attributes {stable_mosaic.version = 14 : i64} {
  func.func @_agg_entry(%arg0: i32, %arg1: i32, %arg2: memref<10000x128xf32, #tpu.memory_space<hbm>>, %arg3: memref<320000xi32, #tpu.memory_space<hbm>>, %arg4: memref<320000xi32, #tpu.memory_space<hbm>>, %arg5: memref<10000x128xf32, #tpu.memory_space<hbm>>, %arg6: memref<2x10000x128xf32, #tpu.memory_space<hbm>>, %arg7: memref<96xi32, #tpu.memory_space<vmem>>, %arg8: memref<96xi32, #tpu.memory_space<vmem>>, %arg9: memref<96xi32, #tpu.memory_space<vmem>>, %arg10: memref<96xi32, #tpu.memory_space<vmem>>, %arg11: memref<96xi32, #tpu.memory_space<vmem>>, %arg12: memref<96xi32, #tpu.memory_space<vmem>>, %arg13: memref<96xi32, #tpu.memory_space<vmem>>, %arg14: memref<96xi32, #tpu.memory_space<vmem>>, %arg15: memref<96x128xf32, #tpu.memory_space<vmem>>, %arg16: memref<96x128xf32, #tpu.memory_space<vmem>>, %arg17: memref<96x128xf32, #tpu.memory_space<vmem>>, %arg18: memref<96x128xf32, #tpu.memory_space<vmem>>, %arg19: memref<16xi32, #tpu.memory_space<vmem>>, %arg20: memref<16xi32, #tpu.memory_space<vmem>>, %arg21: memref<10000x128xf32, #tpu.memory_space<vmem_shared>>, %arg22: memref<!tpu.dma_semaphore, #tpu.memory_space<semaphore_mem>>, %arg23: memref<!tpu.dma_semaphore, #tpu.memory_space<semaphore_mem>>, %arg24: memref<!tpu.dma_semaphore, #tpu.memory_space<semaphore_mem>>, %arg25: memref<!tpu.dma_semaphore, #tpu.memory_space<semaphore_mem>>, %arg26: memref<!tpu.dma_semaphore, #tpu.memory_space<semaphore_mem>>, %arg27: memref<!tpu.dma_semaphore, #tpu.memory_space<semaphore_mem>>, %arg28: memref<!tpu.dma_semaphore, #tpu.memory_space<semaphore_mem>>, %arg29: memref<!tpu.dma_semaphore, #tpu.memory_space<semaphore_mem>>, %arg30: memref<!tpu.dma_semaphore, #tpu.memory_space<semaphore_mem>>, %arg31: memref<!tpu.dma_semaphore, #tpu.memory_space<semaphore_mem>>, %arg32: memref<!tpu.dma_semaphore, #tpu.memory_space<semaphore_mem>>, %arg33: memref<!tpu.dma_semaphore, #tpu.memory_space<semaphore_mem>>, %arg34: memref<!tpu.dma_semaphore, #tpu.memory_space<semaphore_mem>>, %arg35: memref<!tpu.dma_semaphore, #tpu.memory_space<semaphore_mem>>, %arg36: memref<!tpu.dma_semaphore, #tpu.memory_space<semaphore_mem>>, %arg37: memref<!tpu.dma_semaphore, #tpu.memory_space<semaphore_mem>>) attributes {dimension_semantics = [#tpu.dimension_semantics<core_parallel>, #tpu.dimension_semantics<subcore_parallel>], iteration_bounds = array<i64: 2, 16>, scalar_prefetch = 0 : i64, scratch_operands = 31 : i64, tpu.core_type = #tpu.core_type<sc_vector_subcore>, window_params = [{transform_indices = #map}, {transform_indices = #map1}, {transform_indices = #map1}, {transform_indices = #map}, {transform_indices = #map2}]} {
    %mul3A = arith.constant 2 : i32
    %mul3A_0 = arith.muli %arg1, %mul3A : i32
    %add3A = arith.addi %mul3A_0, %arg0 : i32
    %mul3A_1 = arith.constant 624 : i32
    %mul3A_2 = arith.muli %arg1, %mul3A_1 : i32
    %eq3A = arith.constant 0 : i32
    %eq3A_3 = arith.cmpi eq, %arg0, %eq3A : i32
    %lt3A = arith.constant 15 : i32
    %lt3A_4 = arith.cmpi slt, %arg1, %lt3A : i32
    %and3A = arith.andi %eq3A_3, %lt3A_4 : i1
    %convert_element_type3A = arith.extui %and3A : i1 to i32
    %cond3A = arith.constant 0 : i32
    %cond3A_5 = arith.cmpi ne, %convert_element_type3A, %cond3A : i32
    scf.if %cond3A_5 {
      "tpu.region"() ({
        %run_scoped3A = tpu.sem_alloc : memref<!tpu.dma_semaphore, #tpu.memory_space<semaphore_mem>>
        %dma_start3A_71 = arith.constant 0 : i32
        %dma_start3A_72 = tpu.memref_slice %arg21[%mul3A_2, %dma_start3A_71] : memref<10000x128xf32, #tpu.memory_space<vmem_shared>> -> memref<624x128xf32, #tpu.memory_space<vmem_shared>>
        %dma_start3A_73 = arith.constant 0 : i32
        %dma_start3A_74 = tpu.memref_slice %arg2[%mul3A_2, %dma_start3A_73] : memref<10000x128xf32, #tpu.memory_space<hbm>> -> memref<624x128xf32, #tpu.memory_space<hbm>>
        tpu.enqueue_dma source(%dma_start3A_74 : memref<624x128xf32, #tpu.memory_space<hbm>>) target(%dma_start3A_72 : memref<624x128xf32, #tpu.memory_space<vmem_shared>>) target_semaphore(%run_scoped3A : memref<!tpu.dma_semaphore, #tpu.memory_space<semaphore_mem>>)
        %dma_wait3A_75 = arith.constant 0 : i32
        %dma_wait3A_76 = tpu.memref_slice %arg21[%mul3A_2, %dma_wait3A_75] : memref<10000x128xf32, #tpu.memory_space<vmem_shared>> -> memref<624x128xf32, #tpu.memory_space<vmem_shared>>
        %dma_wait3A_77 = arith.constant 0 : i32
        %dma_wait3A_78 = tpu.memref_slice %arg2[%mul3A_2, %dma_wait3A_77] : memref<10000x128xf32, #tpu.memory_space<hbm>> -> memref<624x128xf32, #tpu.memory_space<hbm>>
        tpu.wait_dma2 semaphore(%run_scoped3A : memref<!tpu.dma_semaphore, #tpu.memory_space<semaphore_mem>>) src(%dma_wait3A_78 : memref<624x128xf32, #tpu.memory_space<hbm>>) dst(%dma_wait3A_76 : memref<624x128xf32, #tpu.memory_space<vmem_shared>>)
        tpu.yield
      }) : () -> ()
    } else {
    }
    %eq3A_6 = arith.constant 0 : i32
    %eq3A_7 = arith.cmpi eq, %arg0, %eq3A_6 : i32
    %eq3A_8 = arith.constant 15 : i32
    %eq3A_9 = arith.cmpi eq, %arg1, %eq3A_8 : i32
    %and3A_10 = arith.andi %eq3A_7, %eq3A_9 : i1
    %convert_element_type3A_11 = arith.extui %and3A_10 : i1 to i32
    %cond3A_12 = arith.constant 0 : i32
    %cond3A_13 = arith.cmpi ne, %convert_element_type3A_11, %cond3A_12 : i32
    scf.if %cond3A_13 {
      "tpu.region"() ({
        %run_scoped3A = tpu.sem_alloc : memref<!tpu.dma_semaphore, #tpu.memory_space<semaphore_mem>>
        %dma_start3A_71 = arith.constant 9360 : i32
        %dma_start3A_72 = arith.constant 0 : i32
        %dma_start3A_73 = tpu.memref_slice %arg21[%dma_start3A_71, %dma_start3A_72] : memref<10000x128xf32, #tpu.memory_space<vmem_shared>> -> memref<640x128xf32, #tpu.memory_space<vmem_shared>>
        %dma_start3A_74 = arith.constant 9360 : i32
        %dma_start3A_75 = arith.constant 0 : i32
        %dma_start3A_76 = tpu.memref_slice %arg2[%dma_start3A_74, %dma_start3A_75] : memref<10000x128xf32, #tpu.memory_space<hbm>> -> memref<640x128xf32, #tpu.memory_space<hbm>>
        tpu.enqueue_dma source(%dma_start3A_76 : memref<640x128xf32, #tpu.memory_space<hbm>>) target(%dma_start3A_73 : memref<640x128xf32, #tpu.memory_space<vmem_shared>>) target_semaphore(%run_scoped3A : memref<!tpu.dma_semaphore, #tpu.memory_space<semaphore_mem>>)
        %dma_wait3A_77 = arith.constant 9360 : i32
        %dma_wait3A_78 = arith.constant 0 : i32
        %dma_wait3A_79 = tpu.memref_slice %arg21[%dma_wait3A_77, %dma_wait3A_78] : memref<10000x128xf32, #tpu.memory_space<vmem_shared>> -> memref<640x128xf32, #tpu.memory_space<vmem_shared>>
        %dma_wait3A_80 = arith.constant 9360 : i32
        %dma_wait3A_81 = arith.constant 0 : i32
        %dma_wait3A_82 = tpu.memref_slice %arg2[%dma_wait3A_80, %dma_wait3A_81] : memref<10000x128xf32, #tpu.memory_space<hbm>> -> memref<640x128xf32, #tpu.memory_space<hbm>>
        tpu.wait_dma2 semaphore(%run_scoped3A : memref<!tpu.dma_semaphore, #tpu.memory_space<semaphore_mem>>) src(%dma_wait3A_82 : memref<640x128xf32, #tpu.memory_space<hbm>>) dst(%dma_wait3A_79 : memref<640x128xf32, #tpu.memory_space<vmem_shared>>)
        tpu.yield
      }) : () -> ()
    } else {
    }
    %ne3A = arith.constant 0 : i32
    %ne3A_14 = arith.cmpi ne, %arg0, %ne3A : i32
    %lt3A_15 = arith.constant 15 : i32
    %lt3A_16 = arith.cmpi slt, %arg1, %lt3A_15 : i32
    %and3A_17 = arith.andi %ne3A_14, %lt3A_16 : i1
    %convert_element_type3A_18 = arith.extui %and3A_17 : i1 to i32
    %cond3A_19 = arith.constant 0 : i32
    %cond3A_20 = arith.cmpi ne, %convert_element_type3A_18, %cond3A_19 : i32
    scf.if %cond3A_20 {
      "tpu.region"() ({
        %run_scoped3A = tpu.sem_alloc : memref<!tpu.dma_semaphore, #tpu.memory_space<semaphore_mem>>
        %dma_start3A_71 = arith.constant 0 : i32
        %dma_start3A_72 = tpu.memref_slice %arg21[%mul3A_2, %dma_start3A_71] : memref<10000x128xf32, #tpu.memory_space<vmem_shared>> -> memref<624x128xf32, #tpu.memory_space<vmem_shared>>
        %dma_start3A_73 = arith.constant 0 : i32
        %dma_start3A_74 = tpu.memref_slice %arg5[%mul3A_2, %dma_start3A_73] : memref<10000x128xf32, #tpu.memory_space<hbm>> -> memref<624x128xf32, #tpu.memory_space<hbm>>
        tpu.enqueue_dma source(%dma_start3A_74 : memref<624x128xf32, #tpu.memory_space<hbm>>) target(%dma_start3A_72 : memref<624x128xf32, #tpu.memory_space<vmem_shared>>) target_semaphore(%run_scoped3A : memref<!tpu.dma_semaphore, #tpu.memory_space<semaphore_mem>>)
        %dma_wait3A_75 = arith.constant 0 : i32
        %dma_wait3A_76 = tpu.memref_slice %arg21[%mul3A_2, %dma_wait3A_75] : memref<10000x128xf32, #tpu.memory_space<vmem_shared>> -> memref<624x128xf32, #tpu.memory_space<vmem_shared>>
        %dma_wait3A_77 = arith.constant 0 : i32
        %dma_wait3A_78 = tpu.memref_slice %arg5[%mul3A_2, %dma_wait3A_77] : memref<10000x128xf32, #tpu.memory_space<hbm>> -> memref<624x128xf32, #tpu.memory_space<hbm>>
        tpu.wait_dma2 semaphore(%run_scoped3A : memref<!tpu.dma_semaphore, #tpu.memory_space<semaphore_mem>>) src(%dma_wait3A_78 : memref<624x128xf32, #tpu.memory_space<hbm>>) dst(%dma_wait3A_76 : memref<624x128xf32, #tpu.memory_space<vmem_shared>>)
        tpu.yield
      }) : () -> ()
    } else {
    }
    %ne3A_21 = arith.constant 0 : i32
    %ne3A_22 = arith.cmpi ne, %arg0, %ne3A_21 : i32
    %eq3A_23 = arith.constant 15 : i32
    %eq3A_24 = arith.cmpi eq, %arg1, %eq3A_23 : i32
    %and3A_25 = arith.andi %ne3A_22, %eq3A_24 : i1
    %convert_element_type3A_26 = arith.extui %and3A_25 : i1 to i32
    %cond3A_27 = arith.constant 0 : i32
    %cond3A_28 = arith.cmpi ne, %convert_element_type3A_26, %cond3A_27 : i32
    scf.if %cond3A_28 {
      "tpu.region"() ({
        %run_scoped3A = tpu.sem_alloc : memref<!tpu.dma_semaphore, #tpu.memory_space<semaphore_mem>>
        %dma_start3A_71 = arith.constant 9360 : i32
        %dma_start3A_72 = arith.constant 0 : i32
        %dma_start3A_73 = tpu.memref_slice %arg21[%dma_start3A_71, %dma_start3A_72] : memref<10000x128xf32, #tpu.memory_space<vmem_shared>> -> memref<640x128xf32, #tpu.memory_space<vmem_shared>>
        %dma_start3A_74 = arith.constant 9360 : i32
        %dma_start3A_75 = arith.constant 0 : i32
        %dma_start3A_76 = tpu.memref_slice %arg5[%dma_start3A_74, %dma_start3A_75] : memref<10000x128xf32, #tpu.memory_space<hbm>> -> memref<640x128xf32, #tpu.memory_space<hbm>>
        tpu.enqueue_dma source(%dma_start3A_76 : memref<640x128xf32, #tpu.memory_space<hbm>>) target(%dma_start3A_73 : memref<640x128xf32, #tpu.memory_space<vmem_shared>>) target_semaphore(%run_scoped3A : memref<!tpu.dma_semaphore, #tpu.memory_space<semaphore_mem>>)
        %dma_wait3A_77 = arith.constant 9360 : i32
        %dma_wait3A_78 = arith.constant 0 : i32
        %dma_wait3A_79 = tpu.memref_slice %arg21[%dma_wait3A_77, %dma_wait3A_78] : memref<10000x128xf32, #tpu.memory_space<vmem_shared>> -> memref<640x128xf32, #tpu.memory_space<vmem_shared>>
        %dma_wait3A_80 = arith.constant 9360 : i32
        %dma_wait3A_81 = arith.constant 0 : i32
        %dma_wait3A_82 = tpu.memref_slice %arg5[%dma_wait3A_80, %dma_wait3A_81] : memref<10000x128xf32, #tpu.memory_space<hbm>> -> memref<640x128xf32, #tpu.memory_space<hbm>>
        tpu.wait_dma2 semaphore(%run_scoped3A : memref<!tpu.dma_semaphore, #tpu.memory_space<semaphore_mem>>) src(%dma_wait3A_82 : memref<640x128xf32, #tpu.memory_space<hbm>>) dst(%dma_wait3A_79 : memref<640x128xf32, #tpu.memory_space<vmem_shared>>)
        tpu.yield
      }) : () -> ()
    } else {
    }
    %barrier3A = arith.constant 0 : index
    tpu.barrier barrier_id(%barrier3A)
    %scan3A = arith.constant 0 : i32
    %scan3A_29 = arith.constant 0 : i32
    %scan3A_30 = arith.constant 26 : i32
    %scan3A_31 = arith.addi %scan3A_29, %scan3A_30 : i32
    %scan3A_32 = arith.constant 1 : i32
    scf.for %scan3A_71 = %scan3A_29 to %scan3A_31 step %scan3A_32  : i32 {
      %mul3A_72 = arith.constant 10000 : i32
      %mul3A_73 = arith.muli %add3A, %mul3A_72 : i32
      %mul3A_74 = arith.constant 4 : i32
      %mul3A_75 = arith.muli %scan3A_71, %mul3A_74 : i32
      %mul3A_76 = arith.constant 96 : i32
      %mul3A_77 = arith.muli %mul3A_75, %mul3A_76 : i32
      %add3A_78 = arith.addi %mul3A_73, %mul3A_77 : i32
      %gt3A = arith.constant 0 : i32
      %gt3A_79 = arith.cmpi sgt, %scan3A_71, %gt3A : i32
      %convert_element_type3A_80 = arith.extui %gt3A_79 : i1 to i32
      %cond3A_81 = arith.constant 0 : i32
      %cond3A_82 = arith.cmpi ne, %convert_element_type3A_80, %cond3A_81 : i32
      scf.if %cond3A_82 {
        %dma_wait3A_190 = arith.constant 0 : i32
        %dma_wait3A_191 = arith.constant 0 : i32
        %dma_wait3A_192 = tpu.memref_slice %arg21[%dma_wait3A_190, %dma_wait3A_191] : memref<10000x128xf32, #tpu.memory_space<vmem_shared>> -> memref<10000x128xf32, #tpu.memory_space<vmem_shared>>
        tpu.wait_indirect_dma semaphore(%arg34 : memref<!tpu.dma_semaphore, #tpu.memory_space<semaphore_mem>>) src(%arg15 : memref<96x128xf32, #tpu.memory_space<vmem>>) dst(%dma_wait3A_192 : memref<10000x128xf32, #tpu.memory_space<vmem_shared>>)
      } else {
      }
      %add3A_83 = arith.constant 0 : i32
      %add3A_84 = arith.addi %add3A_78, %add3A_83 : i32
      %dma_start3A_85 = tpu.memref_slice %arg3[%add3A_84] : memref<320000xi32, #tpu.memory_space<hbm>> -> memref<96xi32, #tpu.memory_space<hbm>>
      %dma_start3A_86 = tpu.memref_slice %arg3[%add3A_84] : memref<320000xi32, #tpu.memory_space<hbm>> -> memref<96xi32, #tpu.memory_space<hbm>>
      tpu.enqueue_dma source(%dma_start3A_86 : memref<96xi32, #tpu.memory_space<hbm>>) target(%arg7 : memref<96xi32, #tpu.memory_space<vmem>>) target_semaphore(%arg22 : memref<!tpu.dma_semaphore, #tpu.memory_space<semaphore_mem>>)
      %dma_start3A_87 = tpu.memref_slice %arg4[%add3A_84] : memref<320000xi32, #tpu.memory_space<hbm>> -> memref<96xi32, #tpu.memory_space<hbm>>
      %dma_start3A_88 = tpu.memref_slice %arg4[%add3A_84] : memref<320000xi32, #tpu.memory_space<hbm>> -> memref<96xi32, #tpu.memory_space<hbm>>
      tpu.enqueue_dma source(%dma_start3A_88 : memref<96xi32, #tpu.memory_space<hbm>>) target(%arg11 : memref<96xi32, #tpu.memory_space<vmem>>) target_semaphore(%arg26 : memref<!tpu.dma_semaphore, #tpu.memory_space<semaphore_mem>>)
      %gt3A_89 = arith.constant 0 : i32
      %gt3A_90 = arith.cmpi sgt, %scan3A_71, %gt3A_89 : i32
      %convert_element_type3A_91 = arith.extui %gt3A_90 : i1 to i32
      %cond3A_92 = arith.constant 0 : i32
      %cond3A_93 = arith.cmpi ne, %convert_element_type3A_91, %cond3A_92 : i32
      scf.if %cond3A_93 {
        %dma_wait3A_190 = arith.constant 0 : i32
        %dma_wait3A_191 = arith.constant 0 : i32
        %dma_wait3A_192 = tpu.memref_slice %arg21[%dma_wait3A_190, %dma_wait3A_191] : memref<10000x128xf32, #tpu.memory_space<vmem_shared>> -> memref<10000x128xf32, #tpu.memory_space<vmem_shared>>
        tpu.wait_indirect_dma semaphore(%arg35 : memref<!tpu.dma_semaphore, #tpu.memory_space<semaphore_mem>>) src(%arg16 : memref<96x128xf32, #tpu.memory_space<vmem>>) dst(%dma_wait3A_192 : memref<10000x128xf32, #tpu.memory_space<vmem_shared>>)
      } else {
      }
      %add3A_94 = arith.constant 96 : i32
      %add3A_95 = arith.addi %add3A_78, %add3A_94 : i32
      %dma_start3A_96 = tpu.memref_slice %arg3[%add3A_95] : memref<320000xi32, #tpu.memory_space<hbm>> -> memref<96xi32, #tpu.memory_space<hbm>>
      %dma_start3A_97 = tpu.memref_slice %arg3[%add3A_95] : memref<320000xi32, #tpu.memory_space<hbm>> -> memref<96xi32, #tpu.memory_space<hbm>>
      tpu.enqueue_dma source(%dma_start3A_97 : memref<96xi32, #tpu.memory_space<hbm>>) target(%arg8 : memref<96xi32, #tpu.memory_space<vmem>>) target_semaphore(%arg23 : memref<!tpu.dma_semaphore, #tpu.memory_space<semaphore_mem>>)
      %dma_start3A_98 = tpu.memref_slice %arg4[%add3A_95] : memref<320000xi32, #tpu.memory_space<hbm>> -> memref<96xi32, #tpu.memory_space<hbm>>
      %dma_start3A_99 = tpu.memref_slice %arg4[%add3A_95] : memref<320000xi32, #tpu.memory_space<hbm>> -> memref<96xi32, #tpu.memory_space<hbm>>
      tpu.enqueue_dma source(%dma_start3A_99 : memref<96xi32, #tpu.memory_space<hbm>>) target(%arg12 : memref<96xi32, #tpu.memory_space<vmem>>) target_semaphore(%arg27 : memref<!tpu.dma_semaphore, #tpu.memory_space<semaphore_mem>>)
      %dma_wait3A_100 = arith.constant 0 : i32
      %dma_wait3A_101 = tpu.memref_slice %arg3[%dma_wait3A_100] : memref<320000xi32, #tpu.memory_space<hbm>> -> memref<96xi32, #tpu.memory_space<hbm>>
      %dma_wait3A_102 = arith.constant 0 : i32
      %dma_wait3A_103 = tpu.memref_slice %arg3[%dma_wait3A_102] : memref<320000xi32, #tpu.memory_space<hbm>> -> memref<96xi32, #tpu.memory_space<hbm>>
      tpu.wait_dma2 semaphore(%arg22 : memref<!tpu.dma_semaphore, #tpu.memory_space<semaphore_mem>>) src(%dma_wait3A_103 : memref<96xi32, #tpu.memory_space<hbm>>) dst(%arg7 : memref<96xi32, #tpu.memory_space<vmem>>)
      %dma_start3A_104 = arith.constant 0 : i32
      %dma_start3A_105 = arith.constant 0 : i32
      %dma_start3A_106 = tpu.memref_slice %arg2[%dma_start3A_104, %dma_start3A_105] : memref<10000x128xf32, #tpu.memory_space<hbm>> -> memref<10000x128xf32, #tpu.memory_space<hbm>>
      tpu.enqueue_indirect_dma source(%dma_start3A_106 : memref<10000x128xf32, #tpu.memory_space<hbm>>) target(%arg15 : memref<96x128xf32, #tpu.memory_space<vmem>>) offsets(%arg7 : memref<96xi32, #tpu.memory_space<vmem>>) semaphore(%arg30 : memref<!tpu.dma_semaphore, #tpu.memory_space<semaphore_mem>>)
      %dma_wait3A_107 = arith.constant 0 : i32
      %dma_wait3A_108 = tpu.memref_slice %arg3[%dma_wait3A_107] : memref<320000xi32, #tpu.memory_space<hbm>> -> memref<96xi32, #tpu.memory_space<hbm>>
      %dma_wait3A_109 = arith.constant 0 : i32
      %dma_wait3A_110 = tpu.memref_slice %arg3[%dma_wait3A_109] : memref<320000xi32, #tpu.memory_space<hbm>> -> memref<96xi32, #tpu.memory_space<hbm>>
      tpu.wait_dma2 semaphore(%arg23 : memref<!tpu.dma_semaphore, #tpu.memory_space<semaphore_mem>>) src(%dma_wait3A_110 : memref<96xi32, #tpu.memory_space<hbm>>) dst(%arg8 : memref<96xi32, #tpu.memory_space<vmem>>)
      %dma_start3A_111 = arith.constant 0 : i32
      %dma_start3A_112 = arith.constant 0 : i32
      %dma_start3A_113 = tpu.memref_slice %arg2[%dma_start3A_111, %dma_start3A_112] : memref<10000x128xf32, #tpu.memory_space<hbm>> -> memref<10000x128xf32, #tpu.memory_space<hbm>>
      tpu.enqueue_indirect_dma source(%dma_start3A_113 : memref<10000x128xf32, #tpu.memory_space<hbm>>) target(%arg16 : memref<96x128xf32, #tpu.memory_space<vmem>>) offsets(%arg8 : memref<96xi32, #tpu.memory_space<vmem>>) semaphore(%arg31 : memref<!tpu.dma_semaphore, #tpu.memory_space<semaphore_mem>>)
      %gt3A_114 = arith.constant 0 : i32
      %gt3A_115 = arith.cmpi sgt, %scan3A_71, %gt3A_114 : i32
      %convert_element_type3A_116 = arith.extui %gt3A_115 : i1 to i32
      %cond3A_117 = arith.constant 0 : i32
      %cond3A_118 = arith.cmpi ne, %convert_element_type3A_116, %cond3A_117 : i32
      scf.if %cond3A_118 {
        %dma_wait3A_190 = arith.constant 0 : i32
        %dma_wait3A_191 = arith.constant 0 : i32
        %dma_wait3A_192 = tpu.memref_slice %arg21[%dma_wait3A_190, %dma_wait3A_191] : memref<10000x128xf32, #tpu.memory_space<vmem_shared>> -> memref<10000x128xf32, #tpu.memory_space<vmem_shared>>
        tpu.wait_indirect_dma semaphore(%arg36 : memref<!tpu.dma_semaphore, #tpu.memory_space<semaphore_mem>>) src(%arg17 : memref<96x128xf32, #tpu.memory_space<vmem>>) dst(%dma_wait3A_192 : memref<10000x128xf32, #tpu.memory_space<vmem_shared>>)
      } else {
      }
      %add3A_119 = arith.constant 192 : i32
      %add3A_120 = arith.addi %add3A_78, %add3A_119 : i32
      %dma_start3A_121 = tpu.memref_slice %arg3[%add3A_120] : memref<320000xi32, #tpu.memory_space<hbm>> -> memref<96xi32, #tpu.memory_space<hbm>>
      %dma_start3A_122 = tpu.memref_slice %arg3[%add3A_120] : memref<320000xi32, #tpu.memory_space<hbm>> -> memref<96xi32, #tpu.memory_space<hbm>>
      tpu.enqueue_dma source(%dma_start3A_122 : memref<96xi32, #tpu.memory_space<hbm>>) target(%arg9 : memref<96xi32, #tpu.memory_space<vmem>>) target_semaphore(%arg24 : memref<!tpu.dma_semaphore, #tpu.memory_space<semaphore_mem>>)
      %dma_start3A_123 = tpu.memref_slice %arg4[%add3A_120] : memref<320000xi32, #tpu.memory_space<hbm>> -> memref<96xi32, #tpu.memory_space<hbm>>
      %dma_start3A_124 = tpu.memref_slice %arg4[%add3A_120] : memref<320000xi32, #tpu.memory_space<hbm>> -> memref<96xi32, #tpu.memory_space<hbm>>
      tpu.enqueue_dma source(%dma_start3A_124 : memref<96xi32, #tpu.memory_space<hbm>>) target(%arg13 : memref<96xi32, #tpu.memory_space<vmem>>) target_semaphore(%arg28 : memref<!tpu.dma_semaphore, #tpu.memory_space<semaphore_mem>>)
      %gt3A_125 = arith.constant 0 : i32
      %gt3A_126 = arith.cmpi sgt, %scan3A_71, %gt3A_125 : i32
      %convert_element_type3A_127 = arith.extui %gt3A_126 : i1 to i32
      %cond3A_128 = arith.constant 0 : i32
      %cond3A_129 = arith.cmpi ne, %convert_element_type3A_127, %cond3A_128 : i32
      scf.if %cond3A_129 {
        %dma_wait3A_190 = arith.constant 0 : i32
        %dma_wait3A_191 = arith.constant 0 : i32
        %dma_wait3A_192 = tpu.memref_slice %arg21[%dma_wait3A_190, %dma_wait3A_191] : memref<10000x128xf32, #tpu.memory_space<vmem_shared>> -> memref<10000x128xf32, #tpu.memory_space<vmem_shared>>
        tpu.wait_indirect_dma semaphore(%arg37 : memref<!tpu.dma_semaphore, #tpu.memory_space<semaphore_mem>>) src(%arg18 : memref<96x128xf32, #tpu.memory_space<vmem>>) dst(%dma_wait3A_192 : memref<10000x128xf32, #tpu.memory_space<vmem_shared>>)
      } else {
      }
      %add3A_130 = arith.constant 288 : i32
      %add3A_131 = arith.addi %add3A_78, %add3A_130 : i32
      %dma_start3A_132 = tpu.memref_slice %arg3[%add3A_131] : memref<320000xi32, #tpu.memory_space<hbm>> -> memref<96xi32, #tpu.memory_space<hbm>>
      %dma_start3A_133 = tpu.memref_slice %arg3[%add3A_131] : memref<320000xi32, #tpu.memory_space<hbm>> -> memref<96xi32, #tpu.memory_space<hbm>>
      tpu.enqueue_dma source(%dma_start3A_133 : memref<96xi32, #tpu.memory_space<hbm>>) target(%arg10 : memref<96xi32, #tpu.memory_space<vmem>>) target_semaphore(%arg25 : memref<!tpu.dma_semaphore, #tpu.memory_space<semaphore_mem>>)
      %dma_start3A_134 = tpu.memref_slice %arg4[%add3A_131] : memref<320000xi32, #tpu.memory_space<hbm>> -> memref<96xi32, #tpu.memory_space<hbm>>
      %dma_start3A_135 = tpu.memref_slice %arg4[%add3A_131] : memref<320000xi32, #tpu.memory_space<hbm>> -> memref<96xi32, #tpu.memory_space<hbm>>
      tpu.enqueue_dma source(%dma_start3A_135 : memref<96xi32, #tpu.memory_space<hbm>>) target(%arg14 : memref<96xi32, #tpu.memory_space<vmem>>) target_semaphore(%arg29 : memref<!tpu.dma_semaphore, #tpu.memory_space<semaphore_mem>>)
      %dma_wait3A_136 = arith.constant 0 : i32
      %dma_wait3A_137 = arith.constant 0 : i32
      %dma_wait3A_138 = tpu.memref_slice %arg2[%dma_wait3A_136, %dma_wait3A_137] : memref<10000x128xf32, #tpu.memory_space<hbm>> -> memref<10000x128xf32, #tpu.memory_space<hbm>>
      tpu.wait_indirect_dma semaphore(%arg30 : memref<!tpu.dma_semaphore, #tpu.memory_space<semaphore_mem>>) src(%dma_wait3A_138 : memref<10000x128xf32, #tpu.memory_space<hbm>>) dst(%arg15 : memref<96x128xf32, #tpu.memory_space<vmem>>)
      %dma_wait3A_139 = arith.constant 0 : i32
      %dma_wait3A_140 = tpu.memref_slice %arg4[%dma_wait3A_139] : memref<320000xi32, #tpu.memory_space<hbm>> -> memref<96xi32, #tpu.memory_space<hbm>>
      %dma_wait3A_141 = arith.constant 0 : i32
      %dma_wait3A_142 = tpu.memref_slice %arg4[%dma_wait3A_141] : memref<320000xi32, #tpu.memory_space<hbm>> -> memref<96xi32, #tpu.memory_space<hbm>>
      tpu.wait_dma2 semaphore(%arg26 : memref<!tpu.dma_semaphore, #tpu.memory_space<semaphore_mem>>) src(%dma_wait3A_142 : memref<96xi32, #tpu.memory_space<hbm>>) dst(%arg11 : memref<96xi32, #tpu.memory_space<vmem>>)
      %dma_start3A_143 = arith.constant 0 : i32
      %dma_start3A_144 = arith.constant 0 : i32
      %dma_start3A_145 = tpu.memref_slice %arg21[%dma_start3A_143, %dma_start3A_144] : memref<10000x128xf32, #tpu.memory_space<vmem_shared>> -> memref<10000x128xf32, #tpu.memory_space<vmem_shared>>
      tpu.enqueue_indirect_dma source(%arg15 : memref<96x128xf32, #tpu.memory_space<vmem>>) target(%dma_start3A_145 : memref<10000x128xf32, #tpu.memory_space<vmem_shared>>) offsets(%arg11 : memref<96xi32, #tpu.memory_space<vmem>>) semaphore(%arg34 : memref<!tpu.dma_semaphore, #tpu.memory_space<semaphore_mem>>) {add = true}
      %dma_wait3A_146 = arith.constant 0 : i32
      %dma_wait3A_147 = arith.constant 0 : i32
      %dma_wait3A_148 = tpu.memref_slice %arg2[%dma_wait3A_146, %dma_wait3A_147] : memref<10000x128xf32, #tpu.memory_space<hbm>> -> memref<10000x128xf32, #tpu.memory_space<hbm>>
      tpu.wait_indirect_dma semaphore(%arg31 : memref<!tpu.dma_semaphore, #tpu.memory_space<semaphore_mem>>) src(%dma_wait3A_148 : memref<10000x128xf32, #tpu.memory_space<hbm>>) dst(%arg16 : memref<96x128xf32, #tpu.memory_space<vmem>>)
      %dma_wait3A_149 = arith.constant 0 : i32
      %dma_wait3A_150 = tpu.memref_slice %arg4[%dma_wait3A_149] : memref<320000xi32, #tpu.memory_space<hbm>> -> memref<96xi32, #tpu.memory_space<hbm>>
      %dma_wait3A_151 = arith.constant 0 : i32
      %dma_wait3A_152 = tpu.memref_slice %arg4[%dma_wait3A_151] : memref<320000xi32, #tpu.memory_space<hbm>> -> memref<96xi32, #tpu.memory_space<hbm>>
      tpu.wait_dma2 semaphore(%arg27 : memref<!tpu.dma_semaphore, #tpu.memory_space<semaphore_mem>>) src(%dma_wait3A_152 : memref<96xi32, #tpu.memory_space<hbm>>) dst(%arg12 : memref<96xi32, #tpu.memory_space<vmem>>)
      %dma_start3A_153 = arith.constant 0 : i32
      %dma_start3A_154 = arith.constant 0 : i32
      %dma_start3A_155 = tpu.memref_slice %arg21[%dma_start3A_153, %dma_start3A_154] : memref<10000x128xf32, #tpu.memory_space<vmem_shared>> -> memref<10000x128xf32, #tpu.memory_space<vmem_shared>>
      tpu.enqueue_indirect_dma source(%arg16 : memref<96x128xf32, #tpu.memory_space<vmem>>) target(%dma_start3A_155 : memref<10000x128xf32, #tpu.memory_space<vmem_shared>>) offsets(%arg12 : memref<96xi32, #tpu.memory_space<vmem>>) semaphore(%arg35 : memref<!tpu.dma_semaphore, #tpu.memory_space<semaphore_mem>>) {add = true}
      %dma_wait3A_156 = arith.constant 0 : i32
      %dma_wait3A_157 = tpu.memref_slice %arg3[%dma_wait3A_156] : memref<320000xi32, #tpu.memory_space<hbm>> -> memref<96xi32, #tpu.memory_space<hbm>>
      %dma_wait3A_158 = arith.constant 0 : i32
      %dma_wait3A_159 = tpu.memref_slice %arg3[%dma_wait3A_158] : memref<320000xi32, #tpu.memory_space<hbm>> -> memref<96xi32, #tpu.memory_space<hbm>>
      tpu.wait_dma2 semaphore(%arg24 : memref<!tpu.dma_semaphore, #tpu.memory_space<semaphore_mem>>) src(%dma_wait3A_159 : memref<96xi32, #tpu.memory_space<hbm>>) dst(%arg9 : memref<96xi32, #tpu.memory_space<vmem>>)
      %dma_start3A_160 = arith.constant 0 : i32
      %dma_start3A_161 = arith.constant 0 : i32
      %dma_start3A_162 = tpu.memref_slice %arg2[%dma_start3A_160, %dma_start3A_161] : memref<10000x128xf32, #tpu.memory_space<hbm>> -> memref<10000x128xf32, #tpu.memory_space<hbm>>
      tpu.enqueue_indirect_dma source(%dma_start3A_162 : memref<10000x128xf32, #tpu.memory_space<hbm>>) target(%arg17 : memref<96x128xf32, #tpu.memory_space<vmem>>) offsets(%arg9 : memref<96xi32, #tpu.memory_space<vmem>>) semaphore(%arg32 : memref<!tpu.dma_semaphore, #tpu.memory_space<semaphore_mem>>)
      %dma_wait3A_163 = arith.constant 0 : i32
      %dma_wait3A_164 = tpu.memref_slice %arg3[%dma_wait3A_163] : memref<320000xi32, #tpu.memory_space<hbm>> -> memref<96xi32, #tpu.memory_space<hbm>>
      %dma_wait3A_165 = arith.constant 0 : i32
      %dma_wait3A_166 = tpu.memref_slice %arg3[%dma_wait3A_165] : memref<320000xi32, #tpu.memory_space<hbm>> -> memref<96xi32, #tpu.memory_space<hbm>>
      tpu.wait_dma2 semaphore(%arg25 : memref<!tpu.dma_semaphore, #tpu.memory_space<semaphore_mem>>) src(%dma_wait3A_166 : memref<96xi32, #tpu.memory_space<hbm>>) dst(%arg10 : memref<96xi32, #tpu.memory_space<vmem>>)
      %dma_start3A_167 = arith.constant 0 : i32
      %dma_start3A_168 = arith.constant 0 : i32
      %dma_start3A_169 = tpu.memref_slice %arg2[%dma_start3A_167, %dma_start3A_168] : memref<10000x128xf32, #tpu.memory_space<hbm>> -> memref<10000x128xf32, #tpu.memory_space<hbm>>
      tpu.enqueue_indirect_dma source(%dma_start3A_169 : memref<10000x128xf32, #tpu.memory_space<hbm>>) target(%arg18 : memref<96x128xf32, #tpu.memory_space<vmem>>) offsets(%arg10 : memref<96xi32, #tpu.memory_space<vmem>>) semaphore(%arg33 : memref<!tpu.dma_semaphore, #tpu.memory_space<semaphore_mem>>)
      %dma_wait3A_170 = arith.constant 0 : i32
      %dma_wait3A_171 = arith.constant 0 : i32
      %dma_wait3A_172 = tpu.memref_slice %arg2[%dma_wait3A_170, %dma_wait3A_171] : memref<10000x128xf32, #tpu.memory_space<hbm>> -> memref<10000x128xf32, #tpu.memory_space<hbm>>
      tpu.wait_indirect_dma semaphore(%arg32 : memref<!tpu.dma_semaphore, #tpu.memory_space<semaphore_mem>>) src(%dma_wait3A_172 : memref<10000x128xf32, #tpu.memory_space<hbm>>) dst(%arg17 : memref<96x128xf32, #tpu.memory_space<vmem>>)
      %dma_wait3A_173 = arith.constant 0 : i32
      %dma_wait3A_174 = tpu.memref_slice %arg4[%dma_wait3A_173] : memref<320000xi32, #tpu.memory_space<hbm>> -> memref<96xi32, #tpu.memory_space<hbm>>
      %dma_wait3A_175 = arith.constant 0 : i32
      %dma_wait3A_176 = tpu.memref_slice %arg4[%dma_wait3A_175] : memref<320000xi32, #tpu.memory_space<hbm>> -> memref<96xi32, #tpu.memory_space<hbm>>
      tpu.wait_dma2 semaphore(%arg28 : memref<!tpu.dma_semaphore, #tpu.memory_space<semaphore_mem>>) src(%dma_wait3A_176 : memref<96xi32, #tpu.memory_space<hbm>>) dst(%arg13 : memref<96xi32, #tpu.memory_space<vmem>>)
      %dma_start3A_177 = arith.constant 0 : i32
      %dma_start3A_178 = arith.constant 0 : i32
      %dma_start3A_179 = tpu.memref_slice %arg21[%dma_start3A_177, %dma_start3A_178] : memref<10000x128xf32, #tpu.memory_space<vmem_shared>> -> memref<10000x128xf32, #tpu.memory_space<vmem_shared>>
      tpu.enqueue_indirect_dma source(%arg17 : memref<96x128xf32, #tpu.memory_space<vmem>>) target(%dma_start3A_179 : memref<10000x128xf32, #tpu.memory_space<vmem_shared>>) offsets(%arg13 : memref<96xi32, #tpu.memory_space<vmem>>) semaphore(%arg36 : memref<!tpu.dma_semaphore, #tpu.memory_space<semaphore_mem>>) {add = true}
      %dma_wait3A_180 = arith.constant 0 : i32
      %dma_wait3A_181 = arith.constant 0 : i32
      %dma_wait3A_182 = tpu.memref_slice %arg2[%dma_wait3A_180, %dma_wait3A_181] : memref<10000x128xf32, #tpu.memory_space<hbm>> -> memref<10000x128xf32, #tpu.memory_space<hbm>>
      tpu.wait_indirect_dma semaphore(%arg33 : memref<!tpu.dma_semaphore, #tpu.memory_space<semaphore_mem>>) src(%dma_wait3A_182 : memref<10000x128xf32, #tpu.memory_space<hbm>>) dst(%arg18 : memref<96x128xf32, #tpu.memory_space<vmem>>)
      %dma_wait3A_183 = arith.constant 0 : i32
      %dma_wait3A_184 = tpu.memref_slice %arg4[%dma_wait3A_183] : memref<320000xi32, #tpu.memory_space<hbm>> -> memref<96xi32, #tpu.memory_space<hbm>>
      %dma_wait3A_185 = arith.constant 0 : i32
      %dma_wait3A_186 = tpu.memref_slice %arg4[%dma_wait3A_185] : memref<320000xi32, #tpu.memory_space<hbm>> -> memref<96xi32, #tpu.memory_space<hbm>>
      tpu.wait_dma2 semaphore(%arg29 : memref<!tpu.dma_semaphore, #tpu.memory_space<semaphore_mem>>) src(%dma_wait3A_186 : memref<96xi32, #tpu.memory_space<hbm>>) dst(%arg14 : memref<96xi32, #tpu.memory_space<vmem>>)
      %dma_start3A_187 = arith.constant 0 : i32
      %dma_start3A_188 = arith.constant 0 : i32
      %dma_start3A_189 = tpu.memref_slice %arg21[%dma_start3A_187, %dma_start3A_188] : memref<10000x128xf32, #tpu.memory_space<vmem_shared>> -> memref<10000x128xf32, #tpu.memory_space<vmem_shared>>
      tpu.enqueue_indirect_dma source(%arg18 : memref<96x128xf32, #tpu.memory_space<vmem>>) target(%dma_start3A_189 : memref<10000x128xf32, #tpu.memory_space<vmem_shared>>) offsets(%arg14 : memref<96xi32, #tpu.memory_space<vmem>>) semaphore(%arg37 : memref<!tpu.dma_semaphore, #tpu.memory_space<semaphore_mem>>) {add = true}
    }
    %scan3A_33 = arith.constant 26 : i32
    %dma_wait3A = arith.constant 0 : i32
    %dma_wait3A_34 = arith.constant 0 : i32
    %dma_wait3A_35 = tpu.memref_slice %arg21[%dma_wait3A, %dma_wait3A_34] : memref<10000x128xf32, #tpu.memory_space<vmem_shared>> -> memref<10000x128xf32, #tpu.memory_space<vmem_shared>>
    tpu.wait_indirect_dma semaphore(%arg34 : memref<!tpu.dma_semaphore, #tpu.memory_space<semaphore_mem>>) src(%arg15 : memref<96x128xf32, #tpu.memory_space<vmem>>) dst(%dma_wait3A_35 : memref<10000x128xf32, #tpu.memory_space<vmem_shared>>)
    %dma_wait3A_36 = arith.constant 0 : i32
    %dma_wait3A_37 = arith.constant 0 : i32
    %dma_wait3A_38 = tpu.memref_slice %arg21[%dma_wait3A_36, %dma_wait3A_37] : memref<10000x128xf32, #tpu.memory_space<vmem_shared>> -> memref<10000x128xf32, #tpu.memory_space<vmem_shared>>
    tpu.wait_indirect_dma semaphore(%arg35 : memref<!tpu.dma_semaphore, #tpu.memory_space<semaphore_mem>>) src(%arg16 : memref<96x128xf32, #tpu.memory_space<vmem>>) dst(%dma_wait3A_38 : memref<10000x128xf32, #tpu.memory_space<vmem_shared>>)
    %dma_wait3A_39 = arith.constant 0 : i32
    %dma_wait3A_40 = arith.constant 0 : i32
    %dma_wait3A_41 = tpu.memref_slice %arg21[%dma_wait3A_39, %dma_wait3A_40] : memref<10000x128xf32, #tpu.memory_space<vmem_shared>> -> memref<10000x128xf32, #tpu.memory_space<vmem_shared>>
    tpu.wait_indirect_dma semaphore(%arg36 : memref<!tpu.dma_semaphore, #tpu.memory_space<semaphore_mem>>) src(%arg17 : memref<96x128xf32, #tpu.memory_space<vmem>>) dst(%dma_wait3A_41 : memref<10000x128xf32, #tpu.memory_space<vmem_shared>>)
    %dma_wait3A_42 = arith.constant 0 : i32
    %dma_wait3A_43 = arith.constant 0 : i32
    %dma_wait3A_44 = tpu.memref_slice %arg21[%dma_wait3A_42, %dma_wait3A_43] : memref<10000x128xf32, #tpu.memory_space<vmem_shared>> -> memref<10000x128xf32, #tpu.memory_space<vmem_shared>>
    tpu.wait_indirect_dma semaphore(%arg37 : memref<!tpu.dma_semaphore, #tpu.memory_space<semaphore_mem>>) src(%arg18 : memref<96x128xf32, #tpu.memory_space<vmem>>) dst(%dma_wait3A_44 : memref<10000x128xf32, #tpu.memory_space<vmem_shared>>)
    %mul3A_45 = arith.constant 10000 : i32
    %mul3A_46 = arith.muli %add3A, %mul3A_45 : i32
    %add3A_47 = arith.constant 9984 : i32
    %add3A_48 = arith.addi %mul3A_46, %add3A_47 : i32
    "tpu.region"() ({
      %run_scoped3A = tpu.sem_alloc : memref<!tpu.dma_semaphore, #tpu.memory_space<semaphore_mem>>
      %dma_start3A_71 = tpu.memref_slice %arg3[%add3A_48] : memref<320000xi32, #tpu.memory_space<hbm>> -> memref<16xi32, #tpu.memory_space<hbm>>
      %dma_start3A_72 = tpu.memref_slice %arg3[%add3A_48] : memref<320000xi32, #tpu.memory_space<hbm>> -> memref<16xi32, #tpu.memory_space<hbm>>
      tpu.enqueue_dma source(%dma_start3A_72 : memref<16xi32, #tpu.memory_space<hbm>>) target(%arg19 : memref<16xi32, #tpu.memory_space<vmem>>) target_semaphore(%run_scoped3A : memref<!tpu.dma_semaphore, #tpu.memory_space<semaphore_mem>>)
      %dma_wait3A_73 = tpu.memref_slice %arg3[%add3A_48] : memref<320000xi32, #tpu.memory_space<hbm>> -> memref<16xi32, #tpu.memory_space<hbm>>
      %dma_wait3A_74 = tpu.memref_slice %arg3[%add3A_48] : memref<320000xi32, #tpu.memory_space<hbm>> -> memref<16xi32, #tpu.memory_space<hbm>>
      tpu.wait_dma2 semaphore(%run_scoped3A : memref<!tpu.dma_semaphore, #tpu.memory_space<semaphore_mem>>) src(%dma_wait3A_74 : memref<16xi32, #tpu.memory_space<hbm>>) dst(%arg19 : memref<16xi32, #tpu.memory_space<vmem>>)
      tpu.yield
    }) : () -> ()
    "tpu.region"() ({
      %run_scoped3A = tpu.sem_alloc : memref<!tpu.dma_semaphore, #tpu.memory_space<semaphore_mem>>
      %dma_start3A_71 = tpu.memref_slice %arg4[%add3A_48] : memref<320000xi32, #tpu.memory_space<hbm>> -> memref<16xi32, #tpu.memory_space<hbm>>
      %dma_start3A_72 = tpu.memref_slice %arg4[%add3A_48] : memref<320000xi32, #tpu.memory_space<hbm>> -> memref<16xi32, #tpu.memory_space<hbm>>
      tpu.enqueue_dma source(%dma_start3A_72 : memref<16xi32, #tpu.memory_space<hbm>>) target(%arg20 : memref<16xi32, #tpu.memory_space<vmem>>) target_semaphore(%run_scoped3A : memref<!tpu.dma_semaphore, #tpu.memory_space<semaphore_mem>>)
      %dma_wait3A_73 = tpu.memref_slice %arg4[%add3A_48] : memref<320000xi32, #tpu.memory_space<hbm>> -> memref<16xi32, #tpu.memory_space<hbm>>
      %dma_wait3A_74 = tpu.memref_slice %arg4[%add3A_48] : memref<320000xi32, #tpu.memory_space<hbm>> -> memref<16xi32, #tpu.memory_space<hbm>>
      tpu.wait_dma2 semaphore(%run_scoped3A : memref<!tpu.dma_semaphore, #tpu.memory_space<semaphore_mem>>) src(%dma_wait3A_74 : memref<16xi32, #tpu.memory_space<hbm>>) dst(%arg20 : memref<16xi32, #tpu.memory_space<vmem>>)
      tpu.yield
    }) : () -> ()
    %dma_start3A = arith.constant 0 : i32
    %dma_start3A_49 = arith.constant 0 : i32
    %dma_start3A_50 = tpu.memref_slice %arg15[%dma_start3A, %dma_start3A_49] : memref<96x128xf32, #tpu.memory_space<vmem>> -> memref<16x128xf32, #tpu.memory_space<vmem>>
    %dma_start3A_51 = arith.constant 0 : i32
    %dma_start3A_52 = arith.constant 0 : i32
    %dma_start3A_53 = tpu.memref_slice %arg2[%dma_start3A_51, %dma_start3A_52] : memref<10000x128xf32, #tpu.memory_space<hbm>> -> memref<10000x128xf32, #tpu.memory_space<hbm>>
    tpu.enqueue_indirect_dma source(%dma_start3A_53 : memref<10000x128xf32, #tpu.memory_space<hbm>>) target(%dma_start3A_50 : memref<16x128xf32, #tpu.memory_space<vmem>>) offsets(%arg19 : memref<16xi32, #tpu.memory_space<vmem>>) semaphore(%arg30 : memref<!tpu.dma_semaphore, #tpu.memory_space<semaphore_mem>>)
    %dma_wait3A_54 = arith.constant 0 : i32
    %dma_wait3A_55 = arith.constant 0 : i32
    %dma_wait3A_56 = tpu.memref_slice %arg15[%dma_wait3A_54, %dma_wait3A_55] : memref<96x128xf32, #tpu.memory_space<vmem>> -> memref<16x128xf32, #tpu.memory_space<vmem>>
    %dma_wait3A_57 = arith.constant 0 : i32
    %dma_wait3A_58 = arith.constant 0 : i32
    %dma_wait3A_59 = tpu.memref_slice %arg2[%dma_wait3A_57, %dma_wait3A_58] : memref<10000x128xf32, #tpu.memory_space<hbm>> -> memref<10000x128xf32, #tpu.memory_space<hbm>>
    tpu.wait_indirect_dma semaphore(%arg30 : memref<!tpu.dma_semaphore, #tpu.memory_space<semaphore_mem>>) src(%dma_wait3A_59 : memref<10000x128xf32, #tpu.memory_space<hbm>>) dst(%dma_wait3A_56 : memref<16x128xf32, #tpu.memory_space<vmem>>)
    "tpu.region"() ({
      %run_scoped3A = tpu.sem_alloc : memref<!tpu.dma_semaphore, #tpu.memory_space<semaphore_mem>>
      %dma_start3A_71 = arith.constant 0 : i32
      %dma_start3A_72 = arith.constant 0 : i32
      %dma_start3A_73 = tpu.memref_slice %arg15[%dma_start3A_71, %dma_start3A_72] : memref<96x128xf32, #tpu.memory_space<vmem>> -> memref<16x128xf32, #tpu.memory_space<vmem>>
      %dma_start3A_74 = arith.constant 0 : i32
      %dma_start3A_75 = arith.constant 0 : i32
      %dma_start3A_76 = tpu.memref_slice %arg21[%dma_start3A_74, %dma_start3A_75] : memref<10000x128xf32, #tpu.memory_space<vmem_shared>> -> memref<10000x128xf32, #tpu.memory_space<vmem_shared>>
      tpu.enqueue_indirect_dma source(%dma_start3A_73 : memref<16x128xf32, #tpu.memory_space<vmem>>) target(%dma_start3A_76 : memref<10000x128xf32, #tpu.memory_space<vmem_shared>>) offsets(%arg20 : memref<16xi32, #tpu.memory_space<vmem>>) semaphore(%run_scoped3A : memref<!tpu.dma_semaphore, #tpu.memory_space<semaphore_mem>>) {add = true}
      %dma_wait3A_77 = arith.constant 0 : i32
      %dma_wait3A_78 = arith.constant 0 : i32
      %dma_wait3A_79 = tpu.memref_slice %arg15[%dma_wait3A_77, %dma_wait3A_78] : memref<96x128xf32, #tpu.memory_space<vmem>> -> memref<16x128xf32, #tpu.memory_space<vmem>>
      %dma_wait3A_80 = arith.constant 0 : i32
      %dma_wait3A_81 = arith.constant 0 : i32
      %dma_wait3A_82 = tpu.memref_slice %arg21[%dma_wait3A_80, %dma_wait3A_81] : memref<10000x128xf32, #tpu.memory_space<vmem_shared>> -> memref<10000x128xf32, #tpu.memory_space<vmem_shared>>
      tpu.wait_indirect_dma semaphore(%run_scoped3A : memref<!tpu.dma_semaphore, #tpu.memory_space<semaphore_mem>>) src(%dma_wait3A_79 : memref<16x128xf32, #tpu.memory_space<vmem>>) dst(%dma_wait3A_82 : memref<10000x128xf32, #tpu.memory_space<vmem_shared>>)
      tpu.yield
    }) : () -> ()
    %barrier3A_60 = arith.constant 0 : index
    tpu.barrier barrier_id(%barrier3A_60)
    %lt3A_61 = arith.constant 15 : i32
    %lt3A_62 = arith.cmpi slt, %arg1, %lt3A_61 : i32
    %convert_element_type3A_63 = arith.extui %lt3A_62 : i1 to i32
    %cond3A_64 = arith.constant 0 : i32
    %cond3A_65 = arith.cmpi ne, %convert_element_type3A_63, %cond3A_64 : i32
    scf.if %cond3A_65 {
      "tpu.region"() ({
        %run_scoped3A = tpu.sem_alloc : memref<!tpu.dma_semaphore, #tpu.memory_space<semaphore_mem>>
        %dma_start3A_71 = arith.constant 0 : i32
        %dma_start3A_72 = tpu.memref_slice %arg6[%arg0, %mul3A_2, %dma_start3A_71] : memref<2x10000x128xf32, #tpu.memory_space<hbm>> -> memref<1x624x128xf32, #tpu.memory_space<hbm>>
        %dma_start3A_73 = tpu.memref_squeeze %dma_start3A_72 : memref<1x624x128xf32, #tpu.memory_space<hbm>> -> memref<624x128xf32, #tpu.memory_space<hbm>>
        %dma_start3A_74 = arith.constant 0 : i32
        %dma_start3A_75 = tpu.memref_slice %arg21[%mul3A_2, %dma_start3A_74] : memref<10000x128xf32, #tpu.memory_space<vmem_shared>> -> memref<624x128xf32, #tpu.memory_space<vmem_shared>>
        tpu.enqueue_dma source(%dma_start3A_75 : memref<624x128xf32, #tpu.memory_space<vmem_shared>>) target(%dma_start3A_73 : memref<624x128xf32, #tpu.memory_space<hbm>>) target_semaphore(%run_scoped3A : memref<!tpu.dma_semaphore, #tpu.memory_space<semaphore_mem>>)
        %dma_wait3A_76 = arith.constant 0 : i32
        %dma_wait3A_77 = tpu.memref_slice %arg6[%arg0, %mul3A_2, %dma_wait3A_76] : memref<2x10000x128xf32, #tpu.memory_space<hbm>> -> memref<1x624x128xf32, #tpu.memory_space<hbm>>
        %dma_wait3A_78 = tpu.memref_squeeze %dma_wait3A_77 : memref<1x624x128xf32, #tpu.memory_space<hbm>> -> memref<624x128xf32, #tpu.memory_space<hbm>>
        %dma_wait3A_79 = arith.constant 0 : i32
        %dma_wait3A_80 = tpu.memref_slice %arg21[%mul3A_2, %dma_wait3A_79] : memref<10000x128xf32, #tpu.memory_space<vmem_shared>> -> memref<624x128xf32, #tpu.memory_space<vmem_shared>>
        tpu.wait_dma2 semaphore(%run_scoped3A : memref<!tpu.dma_semaphore, #tpu.memory_space<semaphore_mem>>) src(%dma_wait3A_80 : memref<624x128xf32, #tpu.memory_space<vmem_shared>>) dst(%dma_wait3A_78 : memref<624x128xf32, #tpu.memory_space<hbm>>)
        tpu.yield
      }) : () -> ()
    } else {
    }
    %eq3A_66 = arith.constant 15 : i32
    %eq3A_67 = arith.cmpi eq, %arg1, %eq3A_66 : i32
    %convert_element_type3A_68 = arith.extui %eq3A_67 : i1 to i32
    %cond3A_69 = arith.constant 0 : i32
    %cond3A_70 = arith.cmpi ne, %convert_element_type3A_68, %cond3A_69 : i32
    scf.if %cond3A_70 {
      "tpu.region"() ({
        %run_scoped3A = tpu.sem_alloc : memref<!tpu.dma_semaphore, #tpu.memory_space<semaphore_mem>>
        %dma_start3A_71 = arith.constant 9360 : i32
        %dma_start3A_72 = arith.constant 0 : i32
        %dma_start3A_73 = tpu.memref_slice %arg6[%arg0, %dma_start3A_71, %dma_start3A_72] : memref<2x10000x128xf32, #tpu.memory_space<hbm>> -> memref<1x640x128xf32, #tpu.memory_space<hbm>>
        %dma_start3A_74 = tpu.memref_squeeze %dma_start3A_73 : memref<1x640x128xf32, #tpu.memory_space<hbm>> -> memref<640x128xf32, #tpu.memory_space<hbm>>
        %dma_start3A_75 = arith.constant 9360 : i32
        %dma_start3A_76 = arith.constant 0 : i32
        %dma_start3A_77 = tpu.memref_slice %arg21[%dma_start3A_75, %dma_start3A_76] : memref<10000x128xf32, #tpu.memory_space<vmem_shared>> -> memref<640x128xf32, #tpu.memory_space<vmem_shared>>
        tpu.enqueue_dma source(%dma_start3A_77 : memref<640x128xf32, #tpu.memory_space<vmem_shared>>) target(%dma_start3A_74 : memref<640x128xf32, #tpu.memory_space<hbm>>) target_semaphore(%run_scoped3A : memref<!tpu.dma_semaphore, #tpu.memory_space<semaphore_mem>>)
        %dma_wait3A_78 = arith.constant 9360 : i32
        %dma_wait3A_79 = arith.constant 0 : i32
        %dma_wait3A_80 = tpu.memref_slice %arg6[%arg0, %dma_wait3A_78, %dma_wait3A_79] : memref<2x10000x128xf32, #tpu.memory_space<hbm>> -> memref<1x640x128xf32, #tpu.memory_space<hbm>>
        %dma_wait3A_81 = tpu.memref_squeeze %dma_wait3A_80 : memref<1x640x128xf32, #tpu.memory_space<hbm>> -> memref<640x128xf32, #tpu.memory_space<hbm>>
        %dma_wait3A_82 = arith.constant 9360 : i32
        %dma_wait3A_83 = arith.constant 0 : i32
        %dma_wait3A_84 = tpu.memref_slice %arg21[%dma_wait3A_82, %dma_wait3A_83] : memref<10000x128xf32, #tpu.memory_space<vmem_shared>> -> memref<640x128xf32, #tpu.memory_space<vmem_shared>>
        tpu.wait_dma2 semaphore(%run_scoped3A : memref<!tpu.dma_semaphore, #tpu.memory_space<semaphore_mem>>) src(%dma_wait3A_84 : memref<640x128xf32, #tpu.memory_space<vmem_shared>>) dst(%dma_wait3A_81 : memref<640x128xf32, #tpu.memory_space<hbm>>)
        tpu.yield
      }) : () -> ()
    } else {
    }
    return
  }
}

module attributes {stable_mosaic.version = 14 : i64} {
  func.func @_mlp_body(%arg0: i32, %arg1: memref<2x2000x128xf32, #tpu.memory_space<vmem>>, %arg2: memref<128x128xf32, #tpu.memory_space<vmem>>, %arg3: memref<1x128xf32, #tpu.memory_space<vmem>>, %arg4: memref<2000x128xf32, #tpu.memory_space<vmem>>) attributes {dimension_semantics = [#tpu.dimension_semantics<arbitrary>], iteration_bounds = array<i64: 5>, scalar_prefetch = 0 : i64, scratch_operands = 0 : i64, tpu.core_type = #tpu.core_type<tc>, window_params = [{transform_indices = @transform_0, window_bounds = array<i64: 2, 2000, 128>}, {pipeline_mode = #tpu.pipeline_mode<synchronous>, transform_indices = @transform_1, window_bounds = array<i64: 128, 128>}, {pipeline_mode = #tpu.pipeline_mode<synchronous>, transform_indices = @transform_2, window_bounds = array<i64: 1, 128>}, {transform_indices = @transform_3, window_bounds = array<i64: 2000, 128>}]} {
    %get3A = arith.constant 0 : index
    %get3A_0 = arith.constant 0 : index
    %get3A_1 = arith.constant 0 : index
    %get3A_2 = vector.load %arg1[%get3A, %get3A_0, %get3A_1] : memref<2x2000x128xf32, #tpu.memory_space<vmem>>, vector<1x2000x128xf32>
    %get3A_3 = vector.shape_cast %get3A_2 : vector<1x2000x128xf32> to vector<2000x128xf32>
    %get3A_4 = arith.constant 1 : index
    %get3A_5 = arith.constant 0 : index
    %get3A_6 = arith.constant 0 : index
    %get3A_7 = vector.load %arg1[%get3A_4, %get3A_5, %get3A_6] : memref<2x2000x128xf32, #tpu.memory_space<vmem>>, vector<1x2000x128xf32>
    %get3A_8 = vector.shape_cast %get3A_7 : vector<1x2000x128xf32> to vector<2000x128xf32>
    %add3A = arith.addf %get3A_3, %get3A_8 : vector<2000x128xf32>
    %get3A_9 = arith.constant 0 : index
    %get3A_10 = arith.constant 0 : index
    %get3A_11 = vector.load %arg2[%get3A_9, %get3A_10] : memref<128x128xf32, #tpu.memory_space<vmem>>, vector<128x128xf32>
    %dot_general3A = arith.constant dense<0.000000e+00> : vector<2000x128xf32>
    %dot_general3A_12 = tpu.matmul %add3A, %get3A_11, %dot_general3A {dimension_numbers = #tpu.dot_dimension_numbers<[1], [0], [0], [1], [0, 0, 1, 1], [], []>, transpose_lhs_hint = false} : vector<2000x128xf32>, vector<128x128xf32>, vector<2000x128xf32> -> vector<2000x128xf32>
    %get3A_13 = arith.constant 0 : index
    %get3A_14 = arith.constant 0 : index
    %get3A_15 = vector.load %arg3[%get3A_13, %get3A_14] : memref<1x128xf32, #tpu.memory_space<vmem>>, vector<1x128xf32>
    %add3A_16 = vector.broadcast %get3A_15 : vector<1x128xf32> to vector<2000x128xf32>
    %add3A_17 = arith.addf %dot_general3A_12, %add3A_16 : vector<2000x128xf32>
    %max3A = arith.constant 0.000000e+00 : f32
    %max3A_18 = vector.broadcast %max3A : f32 to vector<2000x128xf32>
    %max3A_19 = arith.maximumf %add3A_17, %max3A_18 : vector<2000x128xf32>
    %swap3A = arith.constant 0 : index
    %swap3A_20 = arith.constant 0 : index
    %swap3A_21 = vector.load %arg4[%swap3A, %swap3A_20] : memref<2000x128xf32, #tpu.memory_space<vmem>>, vector<2000x128xf32>
    tpu.vector_store %arg4[%swap3A, %swap3A_20], %max3A_19 {strides = array<i32>} : memref<2000x128xf32, #tpu.memory_space<vmem>>, vector<2000x128xf32>,
    return
  }
  func.func @transform_0(%arg0: i32) -> (i32, i32, i32) {
    %c0_i32 = arith.constant 0 : i32
    %c0_i32_0 = arith.constant 0 : i32
    %c0_i32_1 = arith.constant 0 : i32
    return %c0_i32, %arg0, %c0_i32_0 : i32, i32, i32
  }
  func.func @transform_1(%arg0: i32) -> (i32, i32) {
    %c0_i32 = arith.constant 0 : i32
    %c0_i32_0 = arith.constant 0 : i32
    %c0_i32_1 = arith.constant 0 : i32
    return %c0_i32, %c0_i32_0 : i32, i32
  }
  func.func @transform_2(%arg0: i32) -> (i32, i32) {
    %c0_i32 = arith.constant 0 : i32
    %c0_i32_0 = arith.constant 0 : i32
    %c0_i32_1 = arith.constant 0 : i32
    return %c0_i32, %c0_i32_0 : i32, i32
  }
  func.func @transform_3(%arg0: i32) -> (i32, i32) {
    %c0_i32 = arith.constant 0 : i32
    %c0_i32_0 = arith.constant 0 : i32
    return %arg0, %c0_i32 : i32, i32
  }
}

module attributes {stable_mosaic.version = 14 : i64} {
  func.func @_mlp_body(%arg0: i32, %arg1: memref<2x2000x128xf32, #tpu.memory_space<vmem>>, %arg2: memref<128x128xf32, #tpu.memory_space<vmem>>, %arg3: memref<1x128xf32, #tpu.memory_space<vmem>>, %arg4: memref<2000x128xf32, #tpu.memory_space<vmem>>) attributes {dimension_semantics = [#tpu.dimension_semantics<arbitrary>], iteration_bounds = array<i64: 5>, scalar_prefetch = 0 : i64, scratch_operands = 0 : i64, tpu.core_type = #tpu.core_type<tc>, window_params = [{transform_indices = @transform_0, window_bounds = array<i64: 2, 2000, 128>}, {pipeline_mode = #tpu.pipeline_mode<synchronous>, transform_indices = @transform_1, window_bounds = array<i64: 128, 128>}, {pipeline_mode = #tpu.pipeline_mode<synchronous>, transform_indices = @transform_2, window_bounds = array<i64: 1, 128>}, {transform_indices = @transform_3, window_bounds = array<i64: 2000, 128>}]} {
    %get3A = arith.constant 0 : index
    %get3A_0 = arith.constant 0 : index
    %get3A_1 = arith.constant 0 : index
    %get3A_2 = vector.load %arg1[%get3A, %get3A_0, %get3A_1] : memref<2x2000x128xf32, #tpu.memory_space<vmem>>, vector<1x2000x128xf32>
    %get3A_3 = vector.shape_cast %get3A_2 : vector<1x2000x128xf32> to vector<2000x128xf32>
    %get3A_4 = arith.constant 1 : index
    %get3A_5 = arith.constant 0 : index
    %get3A_6 = arith.constant 0 : index
    %get3A_7 = vector.load %arg1[%get3A_4, %get3A_5, %get3A_6] : memref<2x2000x128xf32, #tpu.memory_space<vmem>>, vector<1x2000x128xf32>
    %get3A_8 = vector.shape_cast %get3A_7 : vector<1x2000x128xf32> to vector<2000x128xf32>
    %add3A = arith.addf %get3A_3, %get3A_8 : vector<2000x128xf32>
    %get3A_9 = arith.constant 0 : index
    %get3A_10 = arith.constant 0 : index
    %get3A_11 = vector.load %arg2[%get3A_9, %get3A_10] : memref<128x128xf32, #tpu.memory_space<vmem>>, vector<128x128xf32>
    %dot_general3A = arith.constant dense<0.000000e+00> : vector<2000x128xf32>
    %dot_general3A_12 = tpu.matmul %add3A, %get3A_11, %dot_general3A {dimension_numbers = #tpu.dot_dimension_numbers<[1], [0], [0], [1], [0, 0, 1, 1], [], []>, transpose_lhs_hint = false} : vector<2000x128xf32>, vector<128x128xf32>, vector<2000x128xf32> -> vector<2000x128xf32>
    %get3A_13 = arith.constant 0 : index
    %get3A_14 = arith.constant 0 : index
    %get3A_15 = vector.load %arg3[%get3A_13, %get3A_14] : memref<1x128xf32, #tpu.memory_space<vmem>>, vector<1x128xf32>
    %add3A_16 = vector.broadcast %get3A_15 : vector<1x128xf32> to vector<2000x128xf32>
    %add3A_17 = arith.addf %dot_general3A_12, %add3A_16 : vector<2000x128xf32>
    %swap3A = arith.constant 0 : index
    %swap3A_18 = arith.constant 0 : index
    %swap3A_19 = vector.load %arg4[%swap3A, %swap3A_18] : memref<2000x128xf32, #tpu.memory_space<vmem>>, vector<2000x128xf32>
    tpu.vector_store %arg4[%swap3A, %swap3A_18], %add3A_17 {strides = array<i32>} : memref<2000x128xf32, #tpu.memory_space<vmem>>, vector<2000x128xf32>,
    return
  }
  func.func @transform_0(%arg0: i32) -> (i32, i32, i32) {
    %c0_i32 = arith.constant 0 : i32
    %c0_i32_0 = arith.constant 0 : i32
    %c0_i32_1 = arith.constant 0 : i32
    return %c0_i32, %arg0, %c0_i32_0 : i32, i32, i32
  }
  func.func @transform_1(%arg0: i32) -> (i32, i32) {
    %c0_i32 = arith.constant 0 : i32
    %c0_i32_0 = arith.constant 0 : i32
    %c0_i32_1 = arith.constant 0 : i32
    return %c0_i32, %c0_i32_0 : i32, i32
  }
  func.func @transform_2(%arg0: i32) -> (i32, i32) {
    %c0_i32 = arith.constant 0 : i32
    %c0_i32_0 = arith.constant 0 : i32
    %c0_i32_1 = arith.constant 0 : i32
    return %c0_i32, %c0_i32_0 : i32, i32
  }
  func.func @transform_3(%arg0: i32) -> (i32, i32) {
    %c0_i32 = arith.constant 0 : i32
    %c0_i32_0 = arith.constant 0 : i32
    return %arg0, %c0_i32 : i32, i32
  }
}

</mosaic_0001>

<sc_bundles>
// kernel: kernel.6.cloned.1.call-start
scs
__scs_entry_jumppad:
0x0: {  	(pc) =	sbr.rel $0x88, $3  }
0x1: {  	(tag) =	ssettag $0x0;
	lr =	simm.s32 $0x1  }
0x2: {  	[smem:$0x3F99] =	sst lr;
	_ =	strace $0xD0000000  }
0x3: {  	_ = 	snop  }
0x4: {  	_ = 	snop  }
0x5: {  	_ = 	snop  }
0x6: {  	_ = 	snop  }
0x7: {  	_ = 	snop  }
__scs_overlays_trampoline_lowered:
0x8: {  	[smem:$0x3FA8] =	sst s0  }
0x9: {  	[smem:$0x3FA9] =	sst s1  }
0xa: {  	[smem:$0x3FAA] =	sst s2  }
0xb: {  	[smem:$0x3FAB] =	sst s3  }
0xc: {  	[smem:$0x3FAC] =	sst s4  }
0xd: {  	[smem:$0x3FAD] =	sst s5  }
0xe: {  	[smem:$0x3FAE] =	sst s6  }
0xf: {  	[smem:$0x3FAF] =	sst s7  }
0x10: {  	[smem:$0x3FB0] =	sst s8  }
0x11: {  	[smem:$0x3FB1] =	sst s9;
	s0 =	simm.s32 @!p0 $0x0  }
0x12: {  	s1 =	sld [smem:$0x3F97];
	s0 =	simm.s32 @p0 $0x1  }
0x13: {  	[smem:$0x3FB2] =	sst s0;
	s0 =	simm.s32 @!p1 $0x0  }
0x14: {  	s2 =	sld [smem:$0x3F96];
	s0 =	simm.s32 @p1 $0x1  }
0x15: {  	[smem:$0x3FB3] =	sst s0;
	s0 =	simm.s32 @!p2 $0x0  }
0x16: {  	s3 =	sld [smem:$0x3FDB];
	s0 =	simm.s32 @p2 $0x1  }
0x17: {  	s4 =	simm.s32 $0x1BF5;
	[smem:$0x3FB5] =	sst s0  }
0x18: {  	s0 =	sld [smem:$0x3F98];
	_ =	swait.ge [sflag:s4], $0x0  }
0x19: {  	s7 =	sld [smem:$0x3F99]  }
0x1a: {  	s8 =	sadd.s32 $0xFFFFE003, lr  }
0x1b: {  	s9 =	sadd.s32 $0xFFFFFEF7, lr;
	s5 =	simm.s32 $0xFFFFFFFF;
	p2 =	slt.u32 s8, $0xFFFFF086  }
0x1c: {  	p1 =	slt.u32 s9, $0xF7A;
	s5 =	simm.s32 @!p2 $0x0  }
0x1d: {  	s5 =	simm.s32 @p1 $0x1;
	p0 =	seq.s32 s7, s2  }
0x1e: {  	s7 =	smul.u32 @!p0 $0xF7A, s2;
	p2 =	seq.s32 @!p0 s5, $0x0  }
0x1f: {  	s9 =	smul.u32 $0xF7A, s1;
	s8 =	simm.s32 @!p0 $0x1BF5;
	p2 =	por !p2, p0  }
0x20: {  	[sflag:s8] =	ssyncset.s32 @!p0 $0xFFFFF086;
	s6 =	sadd.s32 @!p0 s3, s7;
	s7 =	simm.s32 @!p0 $0x108  }
0x21: {  	s3 =	sadd.s32 s3, s9;
	s6 =	sadd.s32 @!p0 $0x88, s6;
	s7 =	simm.s32 @p2 $0x1082  }
0x22: {  	[simem:s7], [sflag:s8] =	dma.local @!p0 [hbm:s6], $0xF7A  }
0x23: {  	s9 =	sor.u32 $0xD0000000, s2;
	s6 =	simm.s32 $0x108;
	_ =	swait.ge @!p0 [sflag:s8], $0x0  }
0x24: {  	s3 =	sadd.s32 $0x88, s3;
	s6 =	simm.s32 @!p1 $0x1082;
	[sflag:s4] =	ssyncset.s32 $0xFFFFF086  }
0x25: {  	[simem:s6], [sflag:s4] =	dma.local [hbm:s3], $0xF7A  }
0x26: {  	[smem:$0x3F99] =	sst s1;
	(tag) =	ssettag s2;
	_ =	strace s9  }
0x27: {  	s1 =	sld [smem:$0x3FA9]  }
0x28: {  	s2 =	sld [smem:$0x3FAA]  }
0x29: {  	s4 =	sld [smem:$0x3FAC]  }
0x2a: {  	p0 =	seq.s32 s5, $0x0;
	s5 =	sld [smem:$0x3FAD]  }
0x2b: {  	s6 =	sld [smem:$0x3FAE]  }
0x2c: {  	s7 =	sld [smem:$0x3FAF]  }
0x2d: {  	s3 =	simm.s32 $0x108;
	s8 =	sld [smem:$0x3FB0]  }
0x2e: {  	s3 =	simm.s32 @!p0 $0x1082;
	s9 =	sld [smem:$0x3FB1]  }
0x2f: {  	lr =	sadd.s32 s0, s3;
	s0 =	sld [smem:$0x3FA8]  }
0x30: {  	s3 =	sld [smem:$0x3FAB]  }
0x31: {  	[smem:$0x3FB4] =	sst s10  }
0x32: {  	s10 =	sld [smem:$0x3FB2];
	_ =	sdelay $0x3  }
0x33: {  	p0 =	seq.s32 s10, $0x1;
	s10 =	sld [smem:$0x3FB4];
	_ =	sdelay $0x3  }
0x34: {  	[smem:$0x3FB4] =	sst s10  }
0x35: {  	s10 =	sld [smem:$0x3FB3];
	_ =	sdelay $0x3  }
0x36: {  	p1 =	seq.s32 s10, $0x1;
	s10 =	sld [smem:$0x3FB4];
	_ =	sdelay $0x3  }
0x37: {  	[smem:$0x3FB4] =	sst s10  }
0x38: {  	s10 =	sld [smem:$0x3FB5]  }
0x39: {  	_ = 	snop;
	(pc) =	sbr.ind lr, $3  }
0x3a: {  	_ = 	snop  }
0x3b: {  	_ = 	snop  }
0x3c: {  	p2 =	seq.s32 s10, $0x1;
	s10 =	sld [smem:$0x3FB4]  }
0x3d: {  	_ =	shalt  }
0x3e: {  	_ =	shalt  }
0x3f: {  	_ =	shalt  }
0x40: {  	_ =	shalt  }
0x41: {  	_ =	shalt  }
0x42: {  	_ =	shalt  }
0x43: {  	_ =	shalt  }
0x44: {  	_ =	shalt  }
0x45: {  	_ =	shalt  }
0x46: {  	_ =	shalt  }
0x47: {  	_ =	shalt  }
0x48: {  	_ =	shalt  }
0x49: {  	_ =	shalt  }
0x4a: {  	_ =	shalt  }
0x4b: {  	_ =	shalt  }
0x4c: {  	_ =	shalt  }
0x4d: {  	_ =	shalt  }
0x4e: {  	_ =	shalt  }
0x4f: {  	_ =	shalt  }
0x50: {  	_ =	shalt  }
0x51: {  	_ =	shalt  }
0x52: {  	_ =	shalt  }
0x53: {  	_ =	shalt  }
0x54: {  	_ =	shalt  }
0x55: {  	_ =	shalt  }
0x56: {  	_ =	shalt  }
0x57: {  	_ =	shalt  }
0x58: {  	_ =	shalt  }
0x59: {  	_ =	shalt  }
0x5a: {  	_ =	shalt  }
0x5b: {  	_ =	shalt  }
0x5c: {  	_ =	shalt  }
0x5d: {  	_ =	shalt  }
0x5e: {  	_ =	shalt  }
0x5f: {  	_ =	shalt  }
0x60: {  	_ =	shalt  }
0x61: {  	_ =	shalt  }
0x62: {  	_ =	shalt  }
0x63: {  	_ =	shalt  }
0x64: {  	_ =	shalt  }
0x65: {  	_ =	shalt  }
0x66: {  	_ =	shalt  }
0x67: {  	_ =	shalt  }
0x68: {  	_ =	shalt  }
0x69: {  	_ =	shalt  }
0x6a: {  	_ =	shalt  }
0x6b: {  	_ =	shalt  }
0x6c: {  	_ =	shalt  }
0x6d: {  	_ =	shalt  }
0x6e: {  	_ =	shalt  }
0x6f: {  	_ =	shalt  }
0x70: {  	_ =	shalt  }
0x71: {  	_ =	shalt  }
0x72: {  	_ =	shalt  }
0x73: {  	_ =	shalt  }
0x74: {  	_ =	shalt  }
0x75: {  	_ =	shalt  }
0x76: {  	_ =	shalt  }
0x77: {  	_ =	shalt  }
0x78: {  	_ =	shalt  }
0x79: {  	_ =	shalt  }
0x7a: {  	_ =	shalt  }
0x7b: {  	_ =	shalt  }
0x7c: {  	_ =	shalt  }
0x7d: {  	_ =	shalt  }
0x7e: {  	_ =	shalt  }
0x7f: {  	_ =	shalt  }
0x80: {  	_ =	shalt  }
0x81: {  	_ =	shalt  }
0x82: {  	_ =	shalt  }
0x83: {  	_ =	shalt  }
0x84: {  	_ =	shalt  }
0x85: {  	_ =	shalt  }
0x86: {  	_ =	shalt  }
0x87: {  	_ =	shalt  }
.Lfunc_end0:
.L_simem_size_0:
called_computation_lowered:
.L_overlay_start_0:
0x88: {  	s2 =	sld [smem:$0x3FD9]  }
0x89: {  	s3 =	sld [smem:$0x3FFE];
	_ =	sdelay $0x1  }
0x8a: {  	s1 =	srdreg.scid  }
0x8b: {  	s0 =	sand.u32 $0x1, s1  }
0x8c: {  	s17 =	sshll.u32 s0, $0xA;
	s2 =	sadd.s32 s3, s2  }
0x8d: {  	s2 =	sadd.s32 s2, s17  }
0x8e: {  	[smem:$0x3FC0] =	sst s2  }
0x8f: {  	_ = 	snop  }
0x90: {  	s2 =	sld [smem:$0x3FC9]  }
0x91: {  	s18 =	sld [smem:$0x3FD0];
	(tm) =	ssettm $0x1  }
0x92: {  	s4 =	sld [smem:$0x3FFB];
	_ =	sdelay $0x3  }
0x93: {  	_ =	strace s4  }
0x94: {  	s4 =	sld [smem:$0x3FFC];
	_ =	sdelay $0x3  }
0x95: {  	_ =	strace s4  }
0x96: {  	s4 =	sld [smem:$0x3FFD];
	_ =	sdelay $0x3  }
0x97: {  	_ =	strace s4  }
0x98: {  	_ =	strace $0x8FFFFFFF  }
0x99: {  	s19 =	sld [smem:$0x3FDB];
	_ =	sdelay $0x1  }
0x9a: {  	s5 =	simm.s32 $_scs_section_size  }
0x9b: {  	s6 =	simm.s32 $_size__tile_overlayer_lowered;
	s7 =	simm.s32 $_tile_overlayer_lowered  }
0x9c: {  	s22 =	simm.s32 $0x1BFF;
	s21 =	sshll.u32 s7, $0x1;
	s4 =	sadd.s32 s5, s19  }
0x9d: {  	s8 =	simm.s32 $0x0;
	s20 =	sshll.u32 s6, $0x1;
	s6 =	sadd.s32 s21, s4  }
0x9e: {  	[timem:s8], [sflag:s22] =	dma.local [hbm:s6], s20  }
0x9f: {  	_ =	swait.ge [sflag:s22], s20  }
0xa0: {  	s5 =	ssub.s32 $0x0, s20;
	[sflag:s22] =	ssyncset.done $0x0  }
0xa1: {  	[sflag:s22] =	ssyncadd.s32 s5;
	_ =	sdelay $0x1  }
0xa2: {  	s23 =	simm.s32 $0x1B8B  }
0xa3: {  	_ =	swait.ge [sflag:s23], $0x1  }
0xa4: {  	[sflag:s23] =	ssyncset.done $0x0  }
0xa5: {  	s25 =	simm.s32 $0x1B8E;
	s24 =	sld [smem:$0x3FFE];
	[sflag:s23] =	ssyncadd.s32 $0xFFFFFFFF  }
0xa6: {  	s26 =	simm.s32 $execute0_lowered;
	[smem:$0x3FD2] =	sst s25  }
0xa7: {  	s6 =	sshll.u32 s26, $0x1;
	_ =	strace $0x80000046;
	[dreg:$0x1] =	wrdreg $0xFFFFFFFF  }
0xa8: {  	s28 =	simm.s32 $_size_execute0_lowered;
	s4 =	sadd.s32 s4, s6;
	[dreg:$0x0] =	wrdreg $0x0  }
0xa9: {  	s6 =	sshll.u32 s28, $0x1;
	[dreg:$0x2] =	wrdreg s4  }
0xaa: {  	[dreg:$0x3] =	wrdreg s6  }
0xab: {  	[dreg:$0x4] =	wrdreg $0xC0  }
0xac: {  	_ =	task [dreg:s8], $0x5FFFF  }
0xad: {  	[dreg:$0x1] =	wrdreg $0xFFFFFFFF  }
0xae: {  	[dreg:$0x0] =	wrdreg $0x60  }
0xaf: {  	[dreg:$0x2] =	wrdreg s2  }
0xb0: {  	[dreg:$0x3] =	wrdreg s24  }
0xb1: {  	[dreg:$0x4] =	wrdreg s18  }
0xb2: {  	[dreg:$0x5] =	wrdreg $0xC5000  }
0xb3: {  	[dreg:$0x6] =	wrdreg $0x9  }
0xb4: {  	_ =	task.clear_ibuf [dreg:s8], $0x7FFFF;
	_ =	strace $0x90000046  }
0xb5: {  	s29 =	simm.s32 $0x9;
	_ =	strace $0x80000048  }
0xb6: {  	_ =	swait.ge [sflag:s29], $0x1  }
0xb7: {  	[sflag:s29] =	ssyncadd.s32 $0xFFFFFFFF  }
0xb8: {  	_ =	strace $0x90000048  }
0xb9: {  	_ =	sfence  }
0xba: {  	s30 =	sld [smem:$0x0];
	_ =	sdelay $0x2  }
0xbb: {  	s31 =	sshll.u32 s1, $0xD;
	s1 =	sshrl.u32 s1, $0x2  }
0xbc: {  	s3 =	sand.u32 $0x4000, s31;
	s1 =	sadd.s32 s1, s30  }
0xbd: {  	s0 =	sor.u32 s3, s0;
	s1 =	sshll.u32 s1, $0x11  }
0xbe: {  	s0 =	sor.u32 s1, s0  }
0xbf: {  	s0 =	sadd.s32 $0x8F2B, s0  }
0xc0: {  	[sflag:s0] =	ssyncadd.remote.s32 $0x1  }
0xc1: {  	_ =	sfence.sel $0xFFFF  }
0xc2: {  	[dreg:$0x0] =	wrdreg $0xFFFFFFFF;
	(pc) =	sbr.abs _section_cstart, $3  }
0xc3: {  	[dreg:$0x1] =	wrdreg $0xFFFFFFFF  }
0xc4: {  	_ =	task.clear_ibuf [dreg:s8], $0x2FFFF;
	_ =	strace $0x9FFFFFFF  }
0xc5: {  	(tm) =	ssettm $0x7FFFFFFF  }
tec
execute0_lowered:
.L_overlay_start_1:
0x0: {  	(tag) =	ssettag $0x1  }
0x1: {  	s1 =	rddreg [dreg:$0x0]  }
0x2: {  	s2 =	rddreg [dreg:$0x1]  }
0x3: {  	s13 =	rddreg [dreg:$0x2]  }
0x4: {  	s3 =	rddreg [dreg:$0x3];
	s4 =	simm.s32 $0x0;
	s0 =	srdreg.scid  }
0x5: {  	s15 =	stileid.u32;
	s28 =	simm.s32 $0x380;
	s29 =	simm.s32 $0x9  }
0x6: {  	s30 =	simm.s32 $0x5;
	s31 =	simm.s32 $0xA;
	[smem:$0x7FF] =	sst s4  }
0x7: {  	s5 =	sand.u32 $0x1, s0;
	s0 =	sadd.s32 $0xB200, s2;
	s9 =	smul.u32 $0x4E000, s15  }
0x8: {  	s7 =	sadd.s32 $0x1400, s2;
	s2 =	sadd.s32 $0x15000, s2;
	s10 =	smul.u32 $0x2700, s15  }
0x9: {  	s20 =	sshll.u32 s15, $0x1;
	p2 =	sne.s32 s15, $0xF;
	s24 =	smul.u32 $0x13800, s15  }
0xa: {  	p0 =	seq.s32 s15, $0xF;
	s21 =	sadd.s32 $0x124800, s3;
	s12 =	smul.u32 $0x4E20, s15  }
0xb: {  	_ =	strace $0x80000047;
	s6 =	ssub.s32 $0x2, s5;
	p3 =	seq.s32 s5, $0x0  }
0xc: {  	[dreg:$0xd] =	wrdreg s21;
	s22 =	smul.u32 $0x138800, s5;
	s8 =	sshrl.u32 s6, $0x1  }
0xd: {  	p1 =	por !p3, !p2;
	p3 =	por !p3, !p0;
	s9 =	sshrl.u32 s9, $0x2  }
0xe: {  	s23 =	sadd.s32 s1, s10;
	s10 =	sadd.s32 s13, s10;
	s6 =	ssub.s32 s6, s8  }
0xf: {  	s8 =	sor.u32 s5, s20;
	p1 =	por !p1, !p1;
	[dreg:$0xf] =	wrdreg s23  }
0x10: {  	p3 =	por !p3, !p3;
	s16 =	sadd.s32 s9, s3;
	[dreg:$0x10] =	wrdreg s10  }
0x11: {  	s26 =	sadd.s32 s24, s22;
	s9 =	simm.s32 $0x4;
	s10 =	simm.s32 $0x9400  }
0x12: {  	s11 =	simm.s32 @!p3 $0x0;
	s6 =	smax.u32 s6, $0x1;
	[dreg:$0xe] =	wrdreg s16  }
0x13: {  	s8 =	smul.u32 $0x2710, s8;
	s11 =	simm.s32 @p3 $0x1;
	[dreg:$0x15] =	wrdreg s6  }
0x14: {  	p3 =	seq.s32 s5, $0x1;
	s5 =	smul.u32 $0x2710, s5;
	[smem:$0x7FD] =	sst s11  }
0x15: {  	p2 =	por !p2, !p3;
	s8 =	sshrl.u32 s8, $0x3;
	s11 =	sshrl.u32 s26, $0x3  }
0x16: {  	p4 =	por !p2, !p2;
	s8 =	sadd.s32 $0x4E0, s8;
	s5 =	sadd.s32 s5, s12  }
0x17: {  	s12 =	sshrl.u32 s22, $0x3;
	s25 =	sadd.s32 s0, s8;
	s8 =	sadd.s32 s7, s8  }
0x18: {  	s13 =	sshrl.u32 s5, $0x3;
	s17 =	sadd.s32 $0x120, s5;
	[dreg:$0x11] =	wrdreg s25  }
0x19: {  	s21 =	sadd.s32 $0xC0, s5;
	s5 =	sadd.s32 $0x60, s5;
	[dreg:$0x12] =	wrdreg s8  }
0x1a: {  	s8 =	sadd.s32 s2, s11;
	s2 =	sadd.s32 s2, s12;
	s14 =	sadd.s32 s13, s7  }
0x1b: {  	s18 =	sadd.s32 s13, s0;
	s19 =	sshrl.u32 s17, $0x3;
	s23 =	sshrl.u32 s21, $0x3  }
0x1c: {  	s5 =	sshrl.u32 s5, $0x3;
	s17 =	simm.s32 $0x11;
	[dreg:$0x13] =	wrdreg s8  }
0x1d: {  	s11 =	simm.s32 $0xB;
	s12 =	simm.s32 $0x7;
	[dreg:$0x5] =	wrdreg s14  }
0x1e: {  	s13 =	simm.s32 $0xC;
	[dreg:$0x6] =	wrdreg s18;
	s20 =	sadd.s32 s19, s7  }
0x1f: {  	s21 =	simm.s32 $0x280;
	s22 =	sadd.s32 s19, s0;
	[dreg:$0x7] =	wrdreg s20  }
0x20: {  	s24 =	sadd.s32 s23, s7;
	s25 =	sadd.s32 s23, s0;
	[dreg:$0x8] =	wrdreg s22  }
0x21: {  	s2 =	sadd.s32 $0x24900, s2;
	s26 =	sadd.s32 s5, s7;
	[dreg:$0x9] =	wrdreg s24  }
0x22: {  	s0 =	sadd.s32 s5, s0;
	s19 =	simm.s32 $0x1;
	[dreg:$0x14] =	wrdreg s2  }
0x23: {  	s8 =	simm.s32 $0x6400;
	s14 =	simm.s32 $0x8;
	[dreg:$0xa] =	wrdreg s25  }
0x24: {  	s7 =	simm.s32 $0x0;
	s18 =	simm.s32 $0x80;
	[dreg:$0xb] =	wrdreg s26  }
0x25: {  	s23 =	simm.s32 $0x400;
	[dreg:$0xc] =	wrdreg s0;
	s20 =	simm.s32 $0x60  }
0x26: {  	s22 =	simm.s32 $0x2;
	s0 =	simm.s32 $0x6;
	s2 =	simm.s32 $0x3  }
0x27: {  	s24 =	simm.s32 $0x3400;
	s25 =	simm.s32 $0x100;
	s26 =	simm.s32 $0x300  }
.LBB2_1:
.Ltmp0:
0x28: {  	(pc) =	sbr.rel @!p1 .LBB2_4-.Ltmp0, $2  }
0x29: {  	_ =	sdelay $0x2  }
0x2a: {  	[dreg:$0x16] =	wrdreg s7  }
0x2b: {  	s5 =	sshll.u32 s15, $0x6;
	s7 =	sshrl.u32 s16, $0x3  }
.Ltmp1:
0x2c: {  	s6 =	rddreg [dreg:$0xf];
	s5 =	sor.u32 $0x1C11, s5;
	(pc) =	sbr.rel .LBB2_3-.Ltmp1, $4  }
0x2d: {  	[spmem:s7], [sflag:s5] =	dma.local [hbm:s6], $0x2700  }
0x2e: {  	_ =	swait.ge [sflag:s17], $0x2700  }
0x2f: {  	[sflag:s17] =	ssyncset.done $0x0  }
0x30: {  	p5 =	por $0x0, $0x0;
	[sflag:s17] =	ssyncadd.s32 $0xFFFFD900  }
.LBB2_4:
0x31: {  	s5 =	sld [smem:$0x7FD];
	_ =	sdelay $0x2  }
0x32: {  	p2 =	seq.s32 s5, $0x1  }
.Ltmp2:
0x33: {  	_ = 	snop;
	(pc) =	sbr.rel @!p2 .LBB2_3-.Ltmp2, $2  }
0x34: {  	_ =	sdelay $0x2  }
0x35: {  	p5 =	por p0, p0  }
.Ltmp3:
0x36: {  	(pc) =	sbr.rel .LBB2_6-.Ltmp3, $2  }
0x37: {  	_ =	sdelay $0x2  }
0x38: {  	p5 =	por $0x1, $0x1;
	s7 =	simm.s32 $0xF;
	s5 =	smov.u32 s1  }
.LBB2_3:
0x39: {  	s5 =	sshll.u32 @p4 s15, $0x6;
	s7 =	sshrl.u32 @p4 s16, $0x3;
	p2 =	por @p4 $0x1, $0x1  }
0x3a: {  	s6 =	rddreg [dreg:$0x10];
	s5 =	sor.u32 @p4 $0x1C11, s5;
	p2 =	por @!p4 p3, p3  }
0x3b: {  	[spmem:s7], [sflag:s5] =	dma.local @p4 [hbm:s6], $0x2700  }
0x3c: {  	p2 =	por !p2, !p5  }
0x3d: {  	p2 =	por !p2, !p2  }
.Ltmp4:
0x3e: {  	s5 =	simm.s32 @p4 $0x11;
	(pc) =	sbr.rel @!p2 .LBB2_7-.Ltmp4, $4  }
0x3f: {  	_ =	swait.ge @p4 [sflag:s5], $0x2700  }
0x40: {  	[sflag:s5] =	ssyncset.done @p4 $0x0  }
0x41: {  	[sflag:s5] =	ssyncadd.s32 @p4 $0xFFFFD900  }
0x42: {  	s7 =	stileid.u32;
	s5 =	rddreg [dreg:$0x2]  }
.LBB2_6:
0x43: {  	s7 =	sshll.u32 s7, $0x6;
	s6 =	rddreg [dreg:$0xd]  }
0x44: {  	s5 =	sadd.s32 $0x24900, s5;
	s7 =	sor.u32 $0x1C11, s7;
	s15 =	sshrl.u32 s6, $0x3  }
0x45: {  	[spmem:s15], [sflag:s7] =	dma.local [hbm:s5], $0x2800  }
0x46: {  	_ =	swait.ge [sflag:s17], $0x2800  }
0x47: {  	[sflag:s17] =	ssyncset.done $0x0  }
0x48: {  	[sflag:s17] =	ssyncadd.s32 $0xFFFFD800  }
.LBB2_7:
0x49: {  	p2 =	por $0x1, $0x1  }
0x4a: {  	[bflag:$0x0] =	sbarrier.arrive $0xFFFF;
	s5 =	simm.s32 @!p2 $0xD  }
0x4b: {  	_ =	swait.ge @!p2 [sflag:s5], $0x3000  }
0x4c: {  	s7 =	rddreg [dreg:$0x6];
	[sflag:s5] =	ssyncset.done @!p2 $0x0  }
0x4d: {  	s15 =	rddreg [dreg:$0x5];
	[sflag:s5] =	ssyncadd.s32 @!p2 $0xFFFFD000;
	s7 =	sadd.s32 $0x0, s7  }
0x4e: {  	[tilespmem:s4], [sflag:$0x1] =	stream.linear.gather [hbm4b:s7+s4], $0x60, $0x38;
	[tilespmem:$0x1FD80] =	vst v63  }
0x4f: {  	s17 =	simm.s32 $0x200;
	s15 =	sadd.s32 $0x0, s15;
	s7 =	simm.s32 @!p2 $0xE  }
0x50: {  	[tilespmem:s17], [sflag:$0x5] =	stream.linear.gather [hbm4b:s15+s4], $0x60, $0x38;
	[tilespmem:$0x1FD80] =	vst v63  }
0x51: {  	_ =	swait.ge @!p2 [sflag:s7], $0x3000  }
0x52: {  	s16 =	rddreg [dreg:$0xc];
	[sflag:s7] =	ssyncset.done @!p2 $0x0  }
0x53: {  	s6 =	rddreg [dreg:$0xb];
	[sflag:s7] =	ssyncadd.s32 @!p2 $0xFFFFD000;
	s5 =	sadd.s32 $0x0, s16  }
0x54: {  	[tilespmem:s18], [sflag:$0x2] =	stream.linear.gather [hbm4b:s5+s4], $0x60, $0x38;
	[tilespmem:$0x1FD80] =	vst v63  }
0x55: {  	s15 =	sadd.s32 $0x0, s6  }
0x56: {  	[tilespmem:s21], [sflag:$0x6] =	stream.linear.gather [hbm4b:s15+s4], $0x60, $0x38;
	[tilespmem:$0x1FD80] =	vst v63  }
0x57: {  	_ =	swait.ge [sflag:s19], $0x60  }
0x58: {  	[sflag:s19] =	ssyncset.done $0x0  }
0x59: {  	[sflag:s19] =	ssyncadd.s32 $0xFFFFFFA0  }
0x5a: {  	[tilespmem:s23], [sflag:$0x9] =	stream.indirect.gather [hbm4b:s1+s20], $0x80, s4, s20, $0xb8;
	[tilespmem:$0x1FD80] =	vst v63  }
0x5b: {  	_ =	swait.ge [sflag:s22], $0x60  }
0x5c: {  	[sflag:s22] =	ssyncset.done $0x0  }
0x5d: {  	s5 =	simm.s32 @!p2 $0xF;
	[sflag:s22] =	ssyncadd.s32 $0xFFFFFFA0  }
0x5e: {  	[tilespmem:s24], [sflag:$0xA] =	stream.indirect.gather [hbm4b:s1+s20], $0x80, s18, s20, $0xb8;
	[tilespmem:$0x1FD80] =	vst v63  }
0x5f: {  	_ =	swait.ge @!p2 [sflag:s5], $0x3000  }
0x60: {  	s16 =	rddreg [dreg:$0xa];
	[sflag:s5] =	ssyncset.done @!p2 $0x0  }
0x61: {  	s6 =	rddreg [dreg:$0x9];
	[sflag:s5] =	ssyncadd.s32 @!p2 $0xFFFFD000;
	s16 =	sadd.s32 $0x0, s16  }
0x62: {  	[tilespmem:s25], [sflag:$0x3] =	stream.linear.gather [hbm4b:s16+s4], $0x60, $0x38;
	[tilespmem:$0x1FD80] =	vst v63  }
0x63: {  	s7 =	simm.s32 @!p2 $0x10;
	s6 =	sadd.s32 $0x0, s6  }
0x64: {  	[tilespmem:s26], [sflag:$0x7] =	stream.linear.gather [hbm4b:s6+s4], $0x60, $0x38;
	[tilespmem:$0x1FD80] =	vst v63  }
0x65: {  	_ =	swait.ge @!p2 [sflag:s7], $0x3000  }
0x66: {  	s6 =	simm.s32 $0x180;
	s15 =	rddreg [dreg:$0x8];
	[sflag:s7] =	ssyncset.done @!p2 $0x0  }
0x67: {  	s16 =	rddreg [dreg:$0x7];
	[sflag:s7] =	ssyncadd.s32 @!p2 $0xFFFFD000;
	s5 =	sadd.s32 $0x0, s15  }
0x68: {  	[tilespmem:s6], [sflag:$0x4] =	stream.linear.gather [hbm4b:s5+s4], $0x60, $0x38;
	[tilespmem:$0x1FD80] =	vst v63  }
0x69: {  	s16 =	sadd.s32 $0x0, s16  }
0x6a: {  	[tilespmem:s28], [sflag:$0x8] =	stream.linear.gather [hbm4b:s16+s4], $0x60, $0x38;
	[tilespmem:$0x1FD80] =	vst v63  }
0x6b: {  	_ =	swait.ge [sflag:s29], $0x3000  }
0x6c: {  	[sflag:s29] =	ssyncset.done $0x0  }
0x6d: {  	[sflag:s29] =	ssyncadd.s32 $0xFFFFD000  }
0x6e: {  	_ =	swait.ge [sflag:s30], $0x60  }
0x6f: {  	[sflag:s30] =	ssyncset.done $0x0  }
0x70: {  	[sflag:s30] =	ssyncadd.s32 $0xFFFFFFA0  }
0x71: {  	[spmem:s3] =	stream.indirect.scatter.add.f32 [tilespmem:s23], [sflag:$0xD], $0x80, s17, s20, $0xb8;
	[tilespmem:$0x1FD80] =	vst v63  }
0x72: {  	_ =	swait.ge [sflag:s31], $0x3000  }
0x73: {  	[sflag:s31] =	ssyncset.done $0x0  }
0x74: {  	[sflag:s31] =	ssyncadd.s32 $0xFFFFD000  }
0x75: {  	_ =	swait.ge [sflag:s0], $0x60  }
0x76: {  	[sflag:s0] =	ssyncset.done $0x0  }
0x77: {  	[sflag:s0] =	ssyncadd.s32 $0xFFFFFFA0  }
0x78: {  	[spmem:s3] =	stream.indirect.scatter.add.f32 [tilespmem:s24], [sflag:$0xE], $0x80, s21, s20, $0xb8;
	[tilespmem:$0x1FD80] =	vst v63  }
0x79: {  	_ =	swait.ge [sflag:s2], $0x60  }
0x7a: {  	[sflag:s2] =	ssyncset.done $0x0  }
0x7b: {  	[sflag:s2] =	ssyncadd.s32 $0xFFFFFFA0  }
0x7c: {  	[tilespmem:s8], [sflag:$0xB] =	stream.indirect.gather [hbm4b:s1+s20], $0x80, s25, s20, $0xb8;
	[tilespmem:$0x1FD80] =	vst v63  }
0x7d: {  	_ =	swait.ge [sflag:s9], $0x60  }
0x7e: {  	[sflag:s9] =	ssyncset.done $0x0  }
0x7f: {  	[sflag:s9] =	ssyncadd.s32 $0xFFFFFFA0  }
0x80: {  	[tilespmem:s10], [sflag:$0xC] =	stream.indirect.gather [hbm4b:s1+s20], $0x80, s6, s20, $0xb8;
	[tilespmem:$0x1FD80] =	vst v63  }
0x81: {  	_ =	swait.ge [sflag:s11], $0x3000  }
0x82: {  	[sflag:s11] =	ssyncset.done $0x0  }
0x83: {  	[sflag:s11] =	ssyncadd.s32 $0xFFFFD000  }
0x84: {  	_ =	swait.ge [sflag:s12], $0x60  }
0x85: {  	[sflag:s12] =	ssyncset.done $0x0  }
0x86: {  	[sflag:s12] =	ssyncadd.s32 $0xFFFFFFA0  }
0x87: {  	[spmem:s3] =	stream.indirect.scatter.add.f32 [tilespmem:s8], [sflag:$0xF], $0x80, s26, s20, $0xb8;
	[tilespmem:$0x1FD80] =	vst v63  }
0x88: {  	_ =	swait.ge [sflag:s13], $0x3000  }
0x89: {  	[sflag:s13] =	ssyncset.done $0x0  }
0x8a: {  	[sflag:s13] =	ssyncadd.s32 $0xFFFFD000  }
0x8b: {  	s7 =	simm.s32 $0x30;
	_ =	swait.ge [sflag:s14], $0x60  }
0x8c: {  	p2 =	por $0x0, $0x0;
	s5 =	simm.s32 $0x60;
	[sflag:s14] =	ssyncset.done $0x0  }
.LBB2_8:
0x8d: {  	s6 =	simm.s32 @!p2 $0xD;
	[sflag:s14] =	ssyncadd.s32 $0xFFFFFFA0  }
0x8e: {  	[spmem:s3] =	stream.indirect.scatter.add.f32 [tilespmem:s10], [sflag:$0x10], $0x80, s28, s20, $0xb8;
	[tilespmem:$0x1FD80] =	vst v63  }
0x8f: {  	_ =	swait.ge @!p2 [sflag:s6], $0x3000  }
0x90: {  	[sflag:s6] =	ssyncset.done @!p2 $0x0;
	s16 =	rddreg [dreg:$0x6]  }
0x91: {  	[sflag:s6] =	ssyncadd.s32 @!p2 $0xFFFFD000;
	s6 =	rddreg [dreg:$0x5];
	s16 =	sadd.s32 s7, s16  }
0x92: {  	[tilespmem:s4], [sflag:$0x1] =	stream.linear.gather [hbm4b:s16+s4], $0x60, $0x38;
	[tilespmem:$0x1FD80] =	vst v63  }
0x93: {  	s6 =	sadd.s32 s7, s6;
	s16 =	simm.s32 @!p2 $0xE  }
0x94: {  	[tilespmem:s17], [sflag:$0x5] =	stream.linear.gather [hbm4b:s6+s4], $0x60, $0x38;
	[tilespmem:$0x1FD80] =	vst v63  }
0x95: {  	_ =	swait.ge @!p2 [sflag:s16], $0x3000  }
0x96: {  	s6 =	rddreg [dreg:$0xc];
	[sflag:s16] =	ssyncset.done @!p2 $0x0  }
0x97: {  	s17 =	rddreg [dreg:$0xb];
	[sflag:s16] =	ssyncadd.s32 @!p2 $0xFFFFD000;
	s6 =	sadd.s32 s7, s6  }
0x98: {  	[tilespmem:s18], [sflag:$0x2] =	stream.linear.gather [hbm4b:s6+s4], $0x60, $0x38;
	[tilespmem:$0x1FD80] =	vst v63  }
0x99: {  	s17 =	sadd.s32 s7, s17  }
0x9a: {  	[tilespmem:s21], [sflag:$0x6] =	stream.linear.gather [hbm4b:s17+s4], $0x60, $0x38;
	[tilespmem:$0x1FD80] =	vst v63  }
0x9b: {  	_ =	swait.ge [sflag:s19], $0x60  }
0x9c: {  	[sflag:s19] =	ssyncset.done $0x0  }
0x9d: {  	[sflag:s19] =	ssyncadd.s32 $0xFFFFFFA0  }
0x9e: {  	[tilespmem:s23], [sflag:$0x9] =	stream.indirect.gather [hbm4b:s1+s20], $0x80, s4, s20, $0xb8;
	[tilespmem:$0x1FD80] =	vst v63  }
0x9f: {  	_ =	swait.ge [sflag:s22], $0x60  }
0xa0: {  	[sflag:s22] =	ssyncset.done $0x0  }
0xa1: {  	s6 =	simm.s32 @!p2 $0xF;
	[sflag:s22] =	ssyncadd.s32 $0xFFFFFFA0  }
0xa2: {  	[tilespmem:s24], [sflag:$0xA] =	stream.indirect.gather [hbm4b:s1+s20], $0x80, s18, s20, $0xb8;
	[tilespmem:$0x1FD80] =	vst v63  }
0xa3: {  	_ =	swait.ge @!p2 [sflag:s6], $0x3000  }
0xa4: {  	s16 =	rddreg [dreg:$0xa];
	[sflag:s6] =	ssyncset.done @!p2 $0x0  }
0xa5: {  	s17 =	rddreg [dreg:$0x9];
	[sflag:s6] =	ssyncadd.s32 @!p2 $0xFFFFD000;
	s16 =	sadd.s32 s7, s16  }
0xa6: {  	[tilespmem:s25], [sflag:$0x3] =	stream.linear.gather [hbm4b:s16+s4], $0x60, $0x38;
	[tilespmem:$0x1FD80] =	vst v63  }
0xa7: {  	s17 =	sadd.s32 s7, s17;
	s16 =	simm.s32 @!p2 $0x10  }
0xa8: {  	[tilespmem:s26], [sflag:$0x7] =	stream.linear.gather [hbm4b:s17+s4], $0x60, $0x38;
	[tilespmem:$0x1FD80] =	vst v63  }
0xa9: {  	_ =	swait.ge @!p2 [sflag:s16], $0x3000  }
0xaa: {  	s6 =	rddreg [dreg:$0x8]  }
0xab: {  	[sflag:s16] =	ssyncset.done @!p2 $0x0;
	s17 =	rddreg [dreg:$0x7]  }
0xac: {  	[sflag:s16] =	ssyncadd.s32 @!p2 $0xFFFFD000;
	s16 =	simm.s32 $0x180;
	s6 =	sadd.s32 s7, s6  }
0xad: {  	[tilespmem:s16], [sflag:$0x4] =	stream.linear.gather [hbm4b:s6+s4], $0x60, $0x38;
	[tilespmem:$0x1FD80] =	vst v63  }
0xae: {  	s6 =	sadd.s32 s7, s17  }
0xaf: {  	[tilespmem:s28], [sflag:$0x8] =	stream.linear.gather [hbm4b:s6+s4], $0x60, $0x38;
	[tilespmem:$0x1FD80] =	vst v63  }
0xb0: {  	_ =	swait.ge [sflag:s29], $0x3000  }
0xb1: {  	[sflag:s29] =	ssyncset.done $0x0  }
0xb2: {  	[sflag:s29] =	ssyncadd.s32 $0xFFFFD000  }
0xb3: {  	_ =	swait.ge [sflag:s30], $0x60  }
0xb4: {  	[sflag:s30] =	ssyncset.done $0x0  }
0xb5: {  	s17 =	simm.s32 $0x200;
	[sflag:s30] =	ssyncadd.s32 $0xFFFFFFA0  }
0xb6: {  	[spmem:s3] =	stream.indirect.scatter.add.f32 [tilespmem:s23], [sflag:$0xD], $0x80, s17, s20, $0xb8;
	[tilespmem:$0x1FD80] =	vst v63  }
0xb7: {  	_ =	swait.ge [sflag:s31], $0x3000  }
0xb8: {  	[sflag:s31] =	ssyncset.done $0x0  }
0xb9: {  	[sflag:s31] =	ssyncadd.s32 $0xFFFFD000  }
0xba: {  	_ =	swait.ge [sflag:s0], $0x60  }
0xbb: {  	[sflag:s0] =	ssyncset.done $0x0  }
0xbc: {  	[sflag:s0] =	ssyncadd.s32 $0xFFFFFFA0  }
0xbd: {  	[spmem:s3] =	stream.indirect.scatter.add.f32 [tilespmem:s24], [sflag:$0xE], $0x80, s21, s20, $0xb8;
	[tilespmem:$0x1FD80] =	vst v63  }
0xbe: {  	_ =	swait.ge [sflag:s2], $0x60  }
0xbf: {  	[sflag:s2] =	ssyncset.done $0x0  }
0xc0: {  	[sflag:s2] =	ssyncadd.s32 $0xFFFFFFA0  }
0xc1: {  	[tilespmem:s8], [sflag:$0xB] =	stream.indirect.gather [hbm4b:s1+s20], $0x80, s25, s20, $0xb8;
	[tilespmem:$0x1FD80] =	vst v63  }
0xc2: {  	_ =	swait.ge [sflag:s9], $0x60  }
0xc3: {  	[sflag:s9] =	ssyncset.done $0x0  }
0xc4: {  	[sflag:s9] =	ssyncadd.s32 $0xFFFFFFA0  }
0xc5: {  	[tilespmem:s10], [sflag:$0xC] =	stream.indirect.gather [hbm4b:s1+s20], $0x80, s16, s20, $0xb8;
	[tilespmem:$0x1FD80] =	vst v63  }
0xc6: {  	_ =	swait.ge [sflag:s11], $0x3000  }
0xc7: {  	[sflag:s11] =	ssyncset.done $0x0  }
0xc8: {  	[sflag:s11] =	ssyncadd.s32 $0xFFFFD000  }
0xc9: {  	_ =	swait.ge [sflag:s12], $0x60  }
0xca: {  	s15 =	smov.u32 s5;
	s5 =	sadd.s32 $0x30, s5;
	[sflag:s12] =	ssyncset.done $0x0  }
0xcb: {  	p6 =	sne.s32 s5, $0x4E0;
	[sflag:s12] =	ssyncadd.s32 $0xFFFFFFA0  }
0xcc: {  	[spmem:s3] =	stream.indirect.scatter.add.f32 [tilespmem:s8], [sflag:$0xF], $0x80, s26, s20, $0xb8;
	[tilespmem:$0x1FD80] =	vst v63  }
.Ltmp5:
0xcd: {  	_ =	swait.ge [sflag:s13], $0x3000;
	(pc) =	sbr.rel @p6 .LBB2_8-.Ltmp5, $4  }
0xce: {  	[sflag:s13] =	ssyncset.done $0x0  }
0xcf: {  	[sflag:s13] =	ssyncadd.s32 $0xFFFFD000  }
0xd0: {  	s7 =	smov.u32 s15;
	_ =	swait.ge [sflag:s14], $0x60  }
0xd1: {  	p2 =	seq.s32 s7, $0x0;
	[sflag:s14] =	ssyncset.done $0x0  }
0xd2: {  	s5 =	simm.s32 @!p2 $0xD;
	[sflag:s14] =	ssyncadd.s32 $0xFFFFFFA0  }
0xd3: {  	[spmem:s3] =	stream.indirect.scatter.add.f32 [tilespmem:s10], [sflag:$0x10], $0x80, s28, s20, $0xb8;
	[tilespmem:$0x1FD80] =	vst v63  }
0xd4: {  	_ =	swait.ge @!p2 [sflag:s5], $0x3000  }
0xd5: {  	s6 =	rddreg [dreg:$0x6];
	[sflag:s5] =	ssyncset.done @!p2 $0x0  }
0xd6: {  	s15 =	rddreg [dreg:$0x5];
	[sflag:s5] =	ssyncadd.s32 @!p2 $0xFFFFD000;
	s6 =	sadd.s32 s7, s6  }
0xd7: {  	[tilespmem:s4], [sflag:$0x1] =	stream.linear.gather [hbm4b:s6+s4], $0x60, $0x38;
	[tilespmem:$0x1FD80] =	vst v63  }
0xd8: {  	s15 =	sadd.s32 s7, s15;
	s6 =	simm.s32 @!p2 $0xE  }
0xd9: {  	[tilespmem:s17], [sflag:$0x5] =	stream.linear.gather [hbm4b:s15+s4], $0x60, $0x38;
	[tilespmem:$0x1FD80] =	vst v63  }
0xda: {  	_ =	swait.ge @!p2 [sflag:s6], $0x3000  }
0xdb: {  	s5 =	rddreg [dreg:$0xc];
	[sflag:s6] =	ssyncset.done @!p2 $0x0  }
0xdc: {  	s15 =	rddreg [dreg:$0xb];
	[sflag:s6] =	ssyncadd.s32 @!p2 $0xFFFFD000;
	s5 =	sadd.s32 s7, s5  }
0xdd: {  	[tilespmem:s18], [sflag:$0x2] =	stream.linear.gather [hbm4b:s5+s4], $0x60, $0x38;
	[tilespmem:$0x1FD80] =	vst v63  }
0xde: {  	s15 =	sadd.s32 s7, s15  }
0xdf: {  	[tilespmem:s21], [sflag:$0x6] =	stream.linear.gather [hbm4b:s15+s4], $0x60, $0x38;
	[tilespmem:$0x1FD80] =	vst v63  }
0xe0: {  	_ =	swait.ge [sflag:s19], $0x60  }
0xe1: {  	[sflag:s19] =	ssyncset.done $0x0  }
0xe2: {  	[sflag:s19] =	ssyncadd.s32 $0xFFFFFFA0  }
0xe3: {  	[tilespmem:s23], [sflag:$0x9] =	stream.indirect.gather [hbm4b:s1+s20], $0x80, s4, s20, $0xb8;
	[tilespmem:$0x1FD80] =	vst v63  }
0xe4: {  	_ =	swait.ge [sflag:s22], $0x60  }
0xe5: {  	[sflag:s22] =	ssyncset.done $0x0  }
0xe6: {  	s5 =	simm.s32 @!p2 $0xF;
	[sflag:s22] =	ssyncadd.s32 $0xFFFFFFA0  }
0xe7: {  	[tilespmem:s24], [sflag:$0xA] =	stream.indirect.gather [hbm4b:s1+s20], $0x80, s18, s20, $0xb8;
	[tilespmem:$0x1FD80] =	vst v63  }
0xe8: {  	_ =	swait.ge @!p2 [sflag:s5], $0x3000  }
0xe9: {  	s6 =	rddreg [dreg:$0xa];
	[sflag:s5] =	ssyncset.done @!p2 $0x0  }
0xea: {  	s15 =	rddreg [dreg:$0x9];
	[sflag:s5] =	ssyncadd.s32 @!p2 $0xFFFFD000;
	s6 =	sadd.s32 s7, s6  }
0xeb: {  	[tilespmem:s25], [sflag:$0x3] =	stream.linear.gather [hbm4b:s6+s4], $0x60, $0x38;
	[tilespmem:$0x1FD80] =	vst v63  }
0xec: {  	s15 =	sadd.s32 s7, s15;
	s6 =	simm.s32 @!p2 $0x10  }
0xed: {  	[tilespmem:s26], [sflag:$0x7] =	stream.linear.gather [hbm4b:s15+s4], $0x60, $0x38;
	[tilespmem:$0x1FD80] =	vst v63  }
0xee: {  	_ =	swait.ge @!p2 [sflag:s6], $0x3000  }
0xef: {  	s5 =	rddreg [dreg:$0x8];
	[sflag:s6] =	ssyncset.done @!p2 $0x0  }
0xf0: {  	s15 =	rddreg [dreg:$0x7];
	[sflag:s6] =	ssyncadd.s32 @!p2 $0xFFFFD000;
	s5 =	sadd.s32 s7, s5  }
0xf1: {  	[tilespmem:s16], [sflag:$0x4] =	stream.linear.gather [hbm4b:s5+s4], $0x60, $0x38;
	[tilespmem:$0x1FD80] =	vst v63  }
0xf2: {  	s6 =	sadd.s32 s7, s15  }
0xf3: {  	[tilespmem:s28], [sflag:$0x8] =	stream.linear.gather [hbm4b:s6+s4], $0x60, $0x38;
	[tilespmem:$0x1FD80] =	vst v63  }
0xf4: {  	_ =	swait.ge [sflag:s29], $0x3000  }
0xf5: {  	[sflag:s29] =	ssyncset.done $0x0  }
0xf6: {  	[sflag:s29] =	ssyncadd.s32 $0xFFFFD000  }
0xf7: {  	_ =	swait.ge [sflag:s30], $0x60  }
0xf8: {  	[sflag:s30] =	ssyncset.done $0x0  }
0xf9: {  	[sflag:s30] =	ssyncadd.s32 $0xFFFFFFA0  }
0xfa: {  	[spmem:s3] =	stream.indirect.scatter.add.f32 [tilespmem:s23], [sflag:$0xD], $0x80, s17, s20, $0xb8;
	[tilespmem:$0x1FD80] =	vst v63  }
0xfb: {  	_ =	swait.ge [sflag:s31], $0x3000  }
0xfc: {  	[sflag:s31] =	ssyncset.done $0x0  }
0xfd: {  	[sflag:s31] =	ssyncadd.s32 $0xFFFFD000  }
0xfe: {  	_ =	swait.ge [sflag:s0], $0x60  }
0xff: {  	[sflag:s0] =	ssyncset.done $0x0  }
0x100: {  	[sflag:s0] =	ssyncadd.s32 $0xFFFFFFA0  }
0x101: {  	[spmem:s3] =	stream.indirect.scatter.add.f32 [tilespmem:s24], [sflag:$0xE], $0x80, s21, s20, $0xb8;
	[tilespmem:$0x1FD80] =	vst v63  }
0x102: {  	_ =	swait.ge [sflag:s2], $0x60  }
0x103: {  	[sflag:s2] =	ssyncset.done $0x0  }
0x104: {  	[sflag:s2] =	ssyncadd.s32 $0xFFFFFFA0  }
0x105: {  	[tilespmem:s8], [sflag:$0xB] =	stream.indirect.gather [hbm4b:s1+s20], $0x80, s25, s20, $0xb8;
	[tilespmem:$0x1FD80] =	vst v63  }
0x106: {  	_ =	swait.ge [sflag:s9], $0x60  }
0x107: {  	[sflag:s9] =	ssyncset.done $0x0  }
0x108: {  	[sflag:s9] =	ssyncadd.s32 $0xFFFFFFA0  }
0x109: {  	[tilespmem:s10], [sflag:$0xC] =	stream.indirect.gather [hbm4b:s1+s20], $0x80, s16, s20, $0xb8;
	[tilespmem:$0x1FD80] =	vst v63  }
0x10a: {  	_ =	swait.ge [sflag:s11], $0x3000  }
0x10b: {  	[sflag:s11] =	ssyncset.done $0x0  }
0x10c: {  	[sflag:s11] =	ssyncadd.s32 $0xFFFFD000  }
0x10d: {  	_ =	swait.ge [sflag:s12], $0x60  }
0x10e: {  	[sflag:s12] =	ssyncset.done $0x0  }
0x10f: {  	[sflag:s12] =	ssyncadd.s32 $0xFFFFFFA0  }
0x110: {  	[spmem:s3] =	stream.indirect.scatter.add.f32 [tilespmem:s8], [sflag:$0xF], $0x80, s26, s20, $0xb8;
	[tilespmem:$0x1FD80] =	vst v63  }
0x111: {  	_ =	swait.ge [sflag:s13], $0x3000  }
0x112: {  	[sflag:s13] =	ssyncset.done $0x0  }
0x113: {  	[sflag:s13] =	ssyncadd.s32 $0xFFFFD000  }
0x114: {  	_ =	swait.ge [sflag:s14], $0x60  }
0x115: {  	[sflag:s14] =	ssyncset.done $0x0  }
0x116: {  	s7 =	simm.s32 $0xD;
	[sflag:s14] =	ssyncadd.s32 $0xFFFFFFA0  }
0x117: {  	[spmem:s3] =	stream.indirect.scatter.add.f32 [tilespmem:s10], [sflag:$0x10], $0x80, s28, s20, $0xb8;
	[tilespmem:$0x1FD80] =	vst v63  }
0x118: {  	_ =	swait.ge [sflag:s7], $0x3000  }
0x119: {  	[sflag:s7] =	ssyncset.done $0x0  }
0x11a: {  	s15 =	simm.s32 $0xE;
	[sflag:s7] =	ssyncadd.s32 $0xFFFFD000  }
0x11b: {  	_ =	swait.ge [sflag:s15], $0x3000  }
0x11c: {  	[sflag:s15] =	ssyncset.done $0x0  }
0x11d: {  	s16 =	simm.s32 $0xF;
	[sflag:s15] =	ssyncadd.s32 $0xFFFFD000  }
0x11e: {  	_ =	swait.ge [sflag:s16], $0x3000  }
0x11f: {  	[sflag:s16] =	ssyncset.done $0x0  }
0x120: {  	s6 =	simm.s32 $0x10;
	[sflag:s16] =	ssyncadd.s32 $0xFFFFD000  }
0x121: {  	_ =	swait.ge [sflag:s6], $0x3000  }
0x122: {  	[sflag:s6] =	ssyncset.done $0x0  }
0x123: {  	s7 =	simm.s32 $0xC400;
	s17 =	rddreg [dreg:$0x11];
	[sflag:s6] =	ssyncadd.s32 $0xFFFFD000  }
0x124: {  	[tilespmem:s7], [sflag:$0x11] =	stream.linear.gather [hbm4b:s17+s4], $0x10, $0x38;
	[tilespmem:$0x1FD80] =	vst v63  }
0x125: {  	s17 =	simm.s32 $0x11  }
0x126: {  	_ =	swait.ge [sflag:s17], $0x10  }
0x127: {  	[sflag:s17] =	ssyncset.done $0x0  }
0x128: {  	s16 =	simm.s32 $0xC480;
	s15 =	rddreg [dreg:$0x12];
	[sflag:s17] =	ssyncadd.s32 $0xFFFFFFF0  }
0x129: {  	[tilespmem:s16], [sflag:$0x11] =	stream.linear.gather [hbm4b:s15+s4], $0x10, $0x38;
	[tilespmem:$0x1FD80] =	vst v63  }
0x12a: {  	_ =	swait.ge [sflag:s17], $0x10  }
0x12b: {  	[sflag:s17] =	ssyncset.done $0x0  }
0x12c: {  	[sflag:s17] =	ssyncadd.s32 $0xFFFFFFF0  }
0x12d: {  	[tilespmem:s23], [sflag:$0x9] =	stream.indirect.gather [hbm4b:s1+s6], $0x80, s7, s6, $0xb8;
	[tilespmem:$0x1FD80] =	vst v63  }
0x12e: {  	_ =	swait.ge [sflag:s29], $0x800  }
0x12f: {  	[sflag:s29] =	ssyncset.done $0x0  }
0x130: {  	[sflag:s29] =	ssyncadd.s32 $0xFFFFF800  }
0x131: {  	[spmem:s3] =	stream.indirect.scatter.add.f32 [tilespmem:s23], [sflag:$0x11], $0x80, s16, s6, $0xb8;
	[tilespmem:$0x1FD80] =	vst v63  }
0x132: {  	_ =	swait.ge [sflag:s17], $0x800  }
0x133: {  	[sflag:s17] =	ssyncset.done $0x0  }
0x134: {  	[sflag:s17] =	ssyncadd.s32 $0xFFFFF800  }
0x135: {  	s15 =	stileid.u32;
	[bflag:$0x0] =	sbarrier.arrive $0xFFFF  }
0x136: {  	s5 =	sshll.u32 @!p0 s15, $0x6;
	s16 =	rddreg [dreg:$0xe]  }
0x137: {  	s5 =	sor.u32 @!p0 $0x1C11, s5;
	s7 =	rddreg [dreg:$0x13];
	s6 =	sshrl.u32 @!p0 s16, $0x3  }
0x138: {  	[hbm:s7], [sflag:s5] =	dma.local @!p0 [spmem:s6], $0x2700  }
0x139: {  	s5 =	simm.s32 @!p0 $0x11  }
0x13a: {  	_ =	swait.ge @!p0 [sflag:s5], $0x2700  }
0x13b: {  	s6 =	sshll.u32 @p5 s15, $0x6;
	[sflag:s5] =	ssyncset.done @!p0 $0x0  }
0x13c: {  	[sflag:s5] =	ssyncadd.s32 @!p0 $0xFFFFD900;
	s5 =	sor.u32 @p5 $0x1C11, s6;
	s6 =	rddreg [dreg:$0xd]  }
0x13d: {  	s7 =	rddreg [dreg:$0x14];
	s6 =	sshrl.u32 @p5 s6, $0x3  }
0x13e: {  	[hbm:s7], [sflag:s5] =	dma.local @p5 [spmem:s6], $0x2800  }
0x13f: {  	s5 =	simm.s32 @p5 $0x11  }
0x140: {  	_ =	swait.ge @p5 [sflag:s5], $0x2800  }
0x141: {  	s6 =	rddreg [dreg:$0x16]  }
0x142: {  	s7 =	sadd.s32 $0x1, s6;
	s6 =	rddreg [dreg:$0x15]  }
0x143: {  	p2 =	sne.s32 s7, s6  }
.Ltmp6:
0x144: {  	_ = 	snop;
	(pc) =	sbr.rel @p2 .LBB2_1-.Ltmp6, $3  }
0x145: {  	_ =	sdelay $0x1  }
0x146: {  	[sflag:s5] =	ssyncset.done @p5 $0x0  }
0x147: {  	[sflag:s5] =	ssyncadd.s32 @p5 $0xFFFFD800  }
0x148: {  	_ =	sfence.sel $0x180000  }
0x149: {  	[bflag:$0x0] =	sbarrier.arrive $0xFFFF  }
0x14a: {  	_ =	strace $0x90000047  }
0x14b: {  	[bflag:$0x2] =	sbarrier.arrive $0xFFFF  }
0x14c: {  	p0 =	sne.s32 s15, $0x0;
	s0 =	rddreg [dreg:$0x4]  }
0x14d: {  	s0 =	sadd.s32 @!p0 $0x100000, s0  }
0x14e: {  	[sflag:s0] =	ssyncadd.tile.s32 @!p0 $0x1;
	_ =	shalt  }
.Lfunc_end2:
_tile_overlayer_lowered:
.L_overlay_start_2:
0x14f: {  	(tag) =	ssettag $0x2  }
0x150: {  	s0 =	rddreg [dreg:$0x0];
	s2 =	stileid.u32  }
0x151: {  	s1 =	rddreg [dreg:$0x1];
	p0 =	sne.s32 s2, $0x0  }
0x152: {  	s3 =	rddreg [dreg:$0x2];
	[bflag:$0x3] =	sbarrier.arrive $0xFFFF;
	s2 =	simm.s32 @!p0 $0x1C11  }
0x153: {  	[timem:s3], [sflag:s2] =	dma.local @!p0 [hbm:s0], s1  }
0x154: {  	s0 =	simm.s32 @!p0 $0x11  }
0x155: {  	_ =	swait.ge @!p0 [sflag:s0], s1  }
0x156: {  	s1 =	ssub.s32 @!p0 $0x0, s1;
	[sflag:s0] =	ssyncset.done @!p0 $0x0  }
0x157: {  	[sflag:s0] =	ssyncadd.s32 @!p0 s1  }
0x158: {  	[bflag:$0x3] =	sbarrier.arrive $0xFFFF  }
0x159: {  	_ =	shalt  }

// kernel: kernel.9.cloned.1.call-start
scs
__scs_entry_jumppad:
0x0: {  	(pc) =	sbr.rel $0x88, $3  }
0x1: {  	(tag) =	ssettag $0x0;
	lr =	simm.s32 $0x1  }
0x2: {  	[smem:$0x3F99] =	sst lr;
	_ =	strace $0xD0000000  }
0x3: {  	_ = 	snop  }
0x4: {  	_ = 	snop  }
0x5: {  	_ = 	snop  }
0x6: {  	_ = 	snop  }
0x7: {  	_ = 	snop  }
__scs_overlays_trampoline_lowered:
0x8: {  	[smem:$0x3FA8] =	sst s0  }
0x9: {  	[smem:$0x3FA9] =	sst s1  }
0xa: {  	[smem:$0x3FAA] =	sst s2  }
0xb: {  	[smem:$0x3FAB] =	sst s3  }
0xc: {  	[smem:$0x3FAC] =	sst s4  }
0xd: {  	[smem:$0x3FAD] =	sst s5  }
0xe: {  	[smem:$0x3FAE] =	sst s6  }
0xf: {  	[smem:$0x3FAF] =	sst s7  }
0x10: {  	[smem:$0x3FB0] =	sst s8  }
0x11: {  	[smem:$0x3FB1] =	sst s9;
	s0 =	simm.s32 @!p0 $0x0  }
0x12: {  	s1 =	sld [smem:$0x3F97];
	s0 =	simm.s32 @p0 $0x1  }
0x13: {  	[smem:$0x3FB2] =	sst s0;
	s0 =	simm.s32 @!p1 $0x0  }
0x14: {  	s2 =	sld [smem:$0x3F96];
	s0 =	simm.s32 @p1 $0x1  }
0x15: {  	[smem:$0x3FB3] =	sst s0;
	s0 =	simm.s32 @!p2 $0x0  }
0x16: {  	s3 =	sld [smem:$0x3FDB];
	s0 =	simm.s32 @p2 $0x1  }
0x17: {  	s4 =	simm.s32 $0x1BF5;
	[smem:$0x3FB5] =	sst s0  }
0x18: {  	s0 =	sld [smem:$0x3F98];
	_ =	swait.ge [sflag:s4], $0x0  }
0x19: {  	s7 =	sld [smem:$0x3F99]  }
0x1a: {  	s8 =	sadd.s32 $0xFFFFE003, lr  }
0x1b: {  	s9 =	sadd.s32 $0xFFFFFEF7, lr;
	s5 =	simm.s32 $0xFFFFFFFF;
	p2 =	slt.u32 s8, $0xFFFFF086  }
0x1c: {  	p1 =	slt.u32 s9, $0xF7A;
	s5 =	simm.s32 @!p2 $0x0  }
0x1d: {  	s5 =	simm.s32 @p1 $0x1;
	p0 =	seq.s32 s7, s2  }
0x1e: {  	s7 =	smul.u32 @!p0 $0xF7A, s2;
	p2 =	seq.s32 @!p0 s5, $0x0  }
0x1f: {  	s9 =	smul.u32 $0xF7A, s1;
	s8 =	simm.s32 @!p0 $0x1BF5;
	p2 =	por !p2, p0  }
0x20: {  	[sflag:s8] =	ssyncset.s32 @!p0 $0xFFFFF086;
	s6 =	sadd.s32 @!p0 s3, s7;
	s7 =	simm.s32 @!p0 $0x108  }
0x21: {  	s3 =	sadd.s32 s3, s9;
	s6 =	sadd.s32 @!p0 $0x88, s6;
	s7 =	simm.s32 @p2 $0x1082  }
0x22: {  	[simem:s7], [sflag:s8] =	dma.local @!p0 [hbm:s6], $0xF7A  }
0x23: {  	s9 =	sor.u32 $0xD0000000, s2;
	s6 =	simm.s32 $0x108;
	_ =	swait.ge @!p0 [sflag:s8], $0x0  }
0x24: {  	s3 =	sadd.s32 $0x88, s3;
	s6 =	simm.s32 @!p1 $0x1082;
	[sflag:s4] =	ssyncset.s32 $0xFFFFF086  }
0x25: {  	[simem:s6], [sflag:s4] =	dma.local [hbm:s3], $0xF7A  }
0x26: {  	[smem:$0x3F99] =	sst s1;
	(tag) =	ssettag s2;
	_ =	strace s9  }
0x27: {  	s1 =	sld [smem:$0x3FA9]  }
0x28: {  	s2 =	sld [smem:$0x3FAA]  }
0x29: {  	s4 =	sld [smem:$0x3FAC]  }
0x2a: {  	p0 =	seq.s32 s5, $0x0;
	s5 =	sld [smem:$0x3FAD]  }
0x2b: {  	s6 =	sld [smem:$0x3FAE]  }
0x2c: {  	s7 =	sld [smem:$0x3FAF]  }
0x2d: {  	s3 =	simm.s32 $0x108;
	s8 =	sld [smem:$0x3FB0]  }
0x2e: {  	s3 =	simm.s32 @!p0 $0x1082;
	s9 =	sld [smem:$0x3FB1]  }
0x2f: {  	lr =	sadd.s32 s0, s3;
	s0 =	sld [smem:$0x3FA8]  }
0x30: {  	s3 =	sld [smem:$0x3FAB]  }
0x31: {  	[smem:$0x3FB4] =	sst s10  }
0x32: {  	s10 =	sld [smem:$0x3FB2];
	_ =	sdelay $0x3  }
0x33: {  	p0 =	seq.s32 s10, $0x1;
	s10 =	sld [smem:$0x3FB4];
	_ =	sdelay $0x3  }
0x34: {  	[smem:$0x3FB4] =	sst s10  }
0x35: {  	s10 =	sld [smem:$0x3FB3];
	_ =	sdelay $0x3  }
0x36: {  	p1 =	seq.s32 s10, $0x1;
	s10 =	sld [smem:$0x3FB4];
	_ =	sdelay $0x3  }
0x37: {  	[smem:$0x3FB4] =	sst s10  }
0x38: {  	s10 =	sld [smem:$0x3FB5]  }
0x39: {  	_ = 	snop;
	(pc) =	sbr.ind lr, $3  }
0x3a: {  	_ = 	snop  }
0x3b: {  	_ = 	snop  }
0x3c: {  	p2 =	seq.s32 s10, $0x1;
	s10 =	sld [smem:$0x3FB4]  }
0x3d: {  	_ =	shalt  }
0x3e: {  	_ =	shalt  }
0x3f: {  	_ =	shalt  }
0x40: {  	_ =	shalt  }
0x41: {  	_ =	shalt  }
0x42: {  	_ =	shalt  }
0x43: {  	_ =	shalt  }
0x44: {  	_ =	shalt  }
0x45: {  	_ =	shalt  }
0x46: {  	_ =	shalt  }
0x47: {  	_ =	shalt  }
0x48: {  	_ =	shalt  }
0x49: {  	_ =	shalt  }
0x4a: {  	_ =	shalt  }
0x4b: {  	_ =	shalt  }
0x4c: {  	_ =	shalt  }
0x4d: {  	_ =	shalt  }
0x4e: {  	_ =	shalt  }
0x4f: {  	_ =	shalt  }
0x50: {  	_ =	shalt  }
0x51: {  	_ =	shalt  }
0x52: {  	_ =	shalt  }
0x53: {  	_ =	shalt  }
0x54: {  	_ =	shalt  }
0x55: {  	_ =	shalt  }
0x56: {  	_ =	shalt  }
0x57: {  	_ =	shalt  }
0x58: {  	_ =	shalt  }
0x59: {  	_ =	shalt  }
0x5a: {  	_ =	shalt  }
0x5b: {  	_ =	shalt  }
0x5c: {  	_ =	shalt  }
0x5d: {  	_ =	shalt  }
0x5e: {  	_ =	shalt  }
0x5f: {  	_ =	shalt  }
0x60: {  	_ =	shalt  }
0x61: {  	_ =	shalt  }
0x62: {  	_ =	shalt  }
0x63: {  	_ =	shalt  }
0x64: {  	_ =	shalt  }
0x65: {  	_ =	shalt  }
0x66: {  	_ =	shalt  }
0x67: {  	_ =	shalt  }
0x68: {  	_ =	shalt  }
0x69: {  	_ =	shalt  }
0x6a: {  	_ =	shalt  }
0x6b: {  	_ =	shalt  }
0x6c: {  	_ =	shalt  }
0x6d: {  	_ =	shalt  }
0x6e: {  	_ =	shalt  }
0x6f: {  	_ =	shalt  }
0x70: {  	_ =	shalt  }
0x71: {  	_ =	shalt  }
0x72: {  	_ =	shalt  }
0x73: {  	_ =	shalt  }
0x74: {  	_ =	shalt  }
0x75: {  	_ =	shalt  }
0x76: {  	_ =	shalt  }
0x77: {  	_ =	shalt  }
0x78: {  	_ =	shalt  }
0x79: {  	_ =	shalt  }
0x7a: {  	_ =	shalt  }
0x7b: {  	_ =	shalt  }
0x7c: {  	_ =	shalt  }
0x7d: {  	_ =	shalt  }
0x7e: {  	_ =	shalt  }
0x7f: {  	_ =	shalt  }
0x80: {  	_ =	shalt  }
0x81: {  	_ =	shalt  }
0x82: {  	_ =	shalt  }
0x83: {  	_ =	shalt  }
0x84: {  	_ =	shalt  }
0x85: {  	_ =	shalt  }
0x86: {  	_ =	shalt  }
0x87: {  	_ =	shalt  }
.Lfunc_end0:
.L_simem_size_0:
called_computation.1_lowered:
.L_overlay_start_0:
0x88: {  	s2 =	sld [smem:$0x3FD9]  }
0x89: {  	s3 =	sld [smem:$0x3FFE];
	_ =	sdelay $0x1  }
0x8a: {  	s1 =	srdreg.scid  }
0x8b: {  	s0 =	sand.u32 $0x1, s1  }
0x8c: {  	s17 =	sshll.u32 s0, $0xA;
	s2 =	sadd.s32 s3, s2  }
0x8d: {  	s2 =	sadd.s32 s2, s17  }
0x8e: {  	[smem:$0x3FC0] =	sst s2  }
0x8f: {  	_ = 	snop  }
0x90: {  	s2 =	sld [smem:$0x3FD0];
	(tm) =	ssettm $0x1  }
0x91: {  	s18 =	sld [smem:$0x3FFB];
	_ =	sdelay $0x3  }
0x92: {  	_ =	strace s18  }
0x93: {  	s3 =	sld [smem:$0x3FFC];
	_ =	sdelay $0x3  }
0x94: {  	_ =	strace s3  }
0x95: {  	s3 =	sld [smem:$0x3FFD];
	_ =	sdelay $0x3  }
0x96: {  	_ =	strace s3  }
0x97: {  	_ =	strace $0x8FFFFFFF  }
0x98: {  	s19 =	sld [smem:$0x3FDB];
	_ =	sdelay $0x1  }
0x99: {  	s4 =	simm.s32 $_scs_section_size  }
0x9a: {  	s5 =	simm.s32 $_size__tile_overlayer_lowered;
	s6 =	simm.s32 $_tile_overlayer_lowered  }
0x9b: {  	s22 =	simm.s32 $0x1BFF;
	s21 =	sshll.u32 s6, $0x1;
	s3 =	sadd.s32 s4, s19  }
0x9c: {  	s7 =	simm.s32 $0x0;
	s20 =	sshll.u32 s5, $0x1;
	s5 =	sadd.s32 s21, s3  }
0x9d: {  	[timem:s7], [sflag:s22] =	dma.local [hbm:s5], s20  }
0x9e: {  	_ =	swait.ge [sflag:s22], s20  }
0x9f: {  	s4 =	ssub.s32 $0x0, s20;
	[sflag:s22] =	ssyncset.done $0x0  }
0xa0: {  	[sflag:s22] =	ssyncadd.s32 s4;
	_ =	sdelay $0x1  }
0xa1: {  	s23 =	simm.s32 $0x1B8B  }
0xa2: {  	_ =	swait.ge [sflag:s23], $0x1  }
0xa3: {  	[sflag:s23] =	ssyncset.done $0x0  }
0xa4: {  	s25 =	simm.s32 $0x1B8E;
	s24 =	sld [smem:$0x3FFE];
	[sflag:s23] =	ssyncadd.s32 $0xFFFFFFFF  }
0xa5: {  	s26 =	simm.s32 $execute0_lowered;
	[smem:$0x3FD2] =	sst s25  }
0xa6: {  	s5 =	sshll.u32 s26, $0x1;
	_ =	strace $0x80000049;
	[dreg:$0x1] =	wrdreg $0xFFFFFFFF  }
0xa7: {  	s28 =	simm.s32 $_size_execute0_lowered;
	s3 =	sadd.s32 s3, s5;
	[dreg:$0x0] =	wrdreg $0x0  }
0xa8: {  	s5 =	sshll.u32 s28, $0x1;
	[dreg:$0x2] =	wrdreg s3  }
0xa9: {  	[dreg:$0x3] =	wrdreg s5  }
0xaa: {  	[dreg:$0x4] =	wrdreg $0xC0  }
0xab: {  	_ =	task [dreg:s7], $0x5FFFF  }
0xac: {  	[dreg:$0x1] =	wrdreg $0xFFFFFFFF  }
0xad: {  	[dreg:$0x0] =	wrdreg $0x60  }
0xae: {  	[dreg:$0x2] =	wrdreg s24  }
0xaf: {  	[dreg:$0x3] =	wrdreg s2  }
0xb0: {  	[dreg:$0x4] =	wrdreg $0xC5000  }
0xb1: {  	[dreg:$0x5] =	wrdreg $0x9  }
0xb2: {  	_ =	task.clear_ibuf [dreg:s7], $0x6FFFF;
	_ =	strace $0x90000049  }
0xb3: {  	s29 =	simm.s32 $0x9;
	_ =	strace $0x8000004B  }
0xb4: {  	_ =	swait.ge [sflag:s29], $0x1  }
0xb5: {  	[sflag:s29] =	ssyncadd.s32 $0xFFFFFFFF  }
0xb6: {  	_ =	strace $0x9000004B  }
0xb7: {  	_ =	sfence  }
0xb8: {  	s30 =	sld [smem:$0x0];
	_ =	sdelay $0x2  }
0xb9: {  	s31 =	sshll.u32 s1, $0xD;
	s1 =	sshrl.u32 s1, $0x2  }
0xba: {  	s3 =	sand.u32 $0x4000, s31;
	s1 =	sadd.s32 s1, s30  }
0xbb: {  	s0 =	sor.u32 s3, s0;
	s1 =	sshll.u32 s1, $0x11  }
0xbc: {  	s0 =	sor.u32 s1, s0  }
0xbd: {  	s0 =	sadd.s32 $0x8F2B, s0  }
0xbe: {  	[sflag:s0] =	ssyncadd.remote.s32 $0x1  }
0xbf: {  	_ =	sfence.sel $0xFFFF  }
0xc0: {  	[dreg:$0x0] =	wrdreg $0xFFFFFFFF;
	(pc) =	sbr.abs _section_cstart, $3  }
0xc1: {  	[dreg:$0x1] =	wrdreg $0xFFFFFFFF  }
0xc2: {  	_ =	task.clear_ibuf [dreg:s7], $0x2FFFF;
	_ =	strace $0x9FFFFFFF  }
0xc3: {  	(tm) =	ssettm $0x7FFFFFFF  }
tec
execute0_lowered:
.L_overlay_start_1:
0x0: {  	(tag) =	ssettag $0x1  }
0x1: {  	s1 =	rddreg [dreg:$0x0]  }
0x2: {  	s13 =	rddreg [dreg:$0x1]  }
0x3: {  	s2 =	rddreg [dreg:$0x2]  }
0x4: {  	s3 =	simm.s32 $0x0;
	s0 =	srdreg.scid;
	s15 =	stileid.u32  }
0x5: {  	s28 =	simm.s32 $0x380;
	s29 =	simm.s32 $0x9;
	s30 =	simm.s32 $0x5  }
0x6: {  	s31 =	simm.s32 $0xA;
	[smem:$0x7FF] =	sst s3;
	s4 =	sand.u32 $0x1, s0  }
0x7: {  	s5 =	sadd.s32 $0x15000, s1;
	s0 =	sadd.s32 $0xB200, s1;
	s9 =	smul.u32 $0x4E000, s15  }
0x8: {  	s7 =	sadd.s32 $0x1400, s1;
	s1 =	sadd.s32 $0x3C200, s1;
	s10 =	smul.u32 $0x2700, s15  }
0x9: {  	s20 =	sshll.u32 s15, $0x1;
	p2 =	sne.s32 s15, $0xF;
	s24 =	smul.u32 $0x13800, s15  }
0xa: {  	p0 =	seq.s32 s15, $0xF;
	s21 =	sadd.s32 $0x124800, s2;
	s12 =	smul.u32 $0x4E20, s15  }
0xb: {  	_ =	strace $0x8000004A;
	s6 =	ssub.s32 $0x2, s4;
	p3 =	seq.s32 s4, $0x0  }
0xc: {  	[dreg:$0xc] =	wrdreg s21;
	s22 =	smul.u32 $0x138800, s4;
	s8 =	sshrl.u32 s6, $0x1  }
0xd: {  	p1 =	por !p3, !p2;
	p3 =	por !p3, !p0;
	s9 =	sshrl.u32 s9, $0x2  }
0xe: {  	s23 =	sadd.s32 s5, s10;
	s10 =	sadd.s32 s13, s10;
	s6 =	ssub.s32 s6, s8  }
0xf: {  	s8 =	sor.u32 s4, s20;
	p1 =	por !p1, !p1;
	[dreg:$0xe] =	wrdreg s23  }
0x10: {  	p3 =	por !p3, !p3;
	s16 =	sadd.s32 s9, s2;
	[dreg:$0xf] =	wrdreg s10  }
0x11: {  	s26 =	sadd.s32 s24, s22;
	s9 =	simm.s32 $0x4;
	s10 =	simm.s32 $0x9400  }
0x12: {  	s11 =	simm.s32 @!p3 $0x0;
	s6 =	smax.u32 s6, $0x1;
	[dreg:$0xd] =	wrdreg s16  }
0x13: {  	s8 =	smul.u32 $0x2710, s8;
	s11 =	simm.s32 @p3 $0x1;
	[dreg:$0x14] =	wrdreg s6  }
0x14: {  	p3 =	seq.s32 s4, $0x1;
	s4 =	smul.u32 $0x2710, s4;
	[smem:$0x7FD] =	sst s11  }
0x15: {  	p2 =	por !p2, !p3;
	s8 =	sshrl.u32 s8, $0x3;
	s11 =	sshrl.u32 s26, $0x3  }
0x16: {  	p4 =	por !p2, !p2;
	s8 =	sadd.s32 $0x4E0, s8;
	s4 =	sadd.s32 s4, s12  }
0x17: {  	s12 =	sshrl.u32 s22, $0x3;
	s25 =	sadd.s32 s0, s8;
	s8 =	sadd.s32 s7, s8  }
0x18: {  	s13 =	sshrl.u32 s4, $0x3;
	s17 =	sadd.s32 $0x120, s4;
	[dreg:$0x10] =	wrdreg s25  }
0x19: {  	s21 =	sadd.s32 $0xC0, s4;
	s4 =	sadd.s32 $0x60, s4;
	[dreg:$0x11] =	wrdreg s8  }
0x1a: {  	s8 =	sadd.s32 s1, s11;
	s1 =	sadd.s32 s1, s12;
	s14 =	sadd.s32 s13, s7  }
0x1b: {  	s18 =	sadd.s32 s13, s0;
	s19 =	sshrl.u32 s17, $0x3;
	s23 =	sshrl.u32 s21, $0x3  }
0x1c: {  	s4 =	sshrl.u32 s4, $0x3;
	s17 =	simm.s32 $0x11;
	[dreg:$0x12] =	wrdreg s8  }
0x1d: {  	s11 =	simm.s32 $0xB;
	s12 =	simm.s32 $0x7;
	[dreg:$0x4] =	wrdreg s14  }
0x1e: {  	s13 =	simm.s32 $0xC;
	[dreg:$0x5] =	wrdreg s18;
	s20 =	sadd.s32 s19, s7  }
0x1f: {  	s21 =	simm.s32 $0x280;
	s22 =	sadd.s32 s19, s0;
	[dreg:$0x6] =	wrdreg s20  }
0x20: {  	s24 =	sadd.s32 s23, s7;
	s25 =	sadd.s32 s23, s0;
	[dreg:$0x7] =	wrdreg s22  }
0x21: {  	s1 =	sadd.s32 $0x24900, s1;
	s26 =	sadd.s32 s4, s7;
	[dreg:$0x8] =	wrdreg s24  }
0x22: {  	s0 =	sadd.s32 s4, s0;
	s19 =	simm.s32 $0x1;
	[dreg:$0x13] =	wrdreg s1  }
0x23: {  	s8 =	simm.s32 $0x6400;
	s14 =	simm.s32 $0x8;
	[dreg:$0x9] =	wrdreg s25  }
0x24: {  	s7 =	simm.s32 $0x0;
	s18 =	simm.s32 $0x80;
	[dreg:$0xa] =	wrdreg s26  }
0x25: {  	s23 =	simm.s32 $0x400;
	[dreg:$0xb] =	wrdreg s0;
	s20 =	simm.s32 $0x60  }
0x26: {  	s22 =	simm.s32 $0x2;
	s0 =	simm.s32 $0x6;
	s1 =	simm.s32 $0x3  }
0x27: {  	s24 =	simm.s32 $0x3400;
	s25 =	simm.s32 $0x100;
	s26 =	simm.s32 $0x300  }
.LBB2_1:
.Ltmp0:
0x28: {  	(pc) =	sbr.rel @!p1 .LBB2_4-.Ltmp0, $2  }
0x29: {  	_ =	sdelay $0x2  }
0x2a: {  	[dreg:$0x15] =	wrdreg s7  }
0x2b: {  	s4 =	sshll.u32 s15, $0x6;
	s7 =	sshrl.u32 s16, $0x3  }
.Ltmp1:
0x2c: {  	s6 =	rddreg [dreg:$0xe];
	s4 =	sor.u32 $0x1C11, s4;
	(pc) =	sbr.rel .LBB2_3-.Ltmp1, $4  }
0x2d: {  	[spmem:s7], [sflag:s4] =	dma.local [hbm:s6], $0x2700  }
0x2e: {  	_ =	swait.ge [sflag:s17], $0x2700  }
0x2f: {  	[sflag:s17] =	ssyncset.done $0x0  }
0x30: {  	p5 =	por $0x0, $0x0;
	[sflag:s17] =	ssyncadd.s32 $0xFFFFD900  }
.LBB2_4:
0x31: {  	s4 =	sld [smem:$0x7FD];
	_ =	sdelay $0x2  }
0x32: {  	p2 =	seq.s32 s4, $0x1  }
.Ltmp2:
0x33: {  	_ = 	snop;
	(pc) =	sbr.rel @!p2 .LBB2_3-.Ltmp2, $2  }
0x34: {  	_ =	sdelay $0x2  }
0x35: {  	p5 =	por p0, p0  }
.Ltmp3:
0x36: {  	(pc) =	sbr.rel .LBB2_6-.Ltmp3, $2  }
0x37: {  	_ =	sdelay $0x2  }
0x38: {  	p5 =	por $0x1, $0x1;
	s7 =	simm.s32 $0xF;
	s4 =	smov.u32 s5  }
.LBB2_3:
0x39: {  	s4 =	sshll.u32 @p4 s15, $0x6;
	s7 =	sshrl.u32 @p4 s16, $0x3;
	p2 =	por @p4 $0x1, $0x1  }
0x3a: {  	s6 =	rddreg [dreg:$0xf];
	s4 =	sor.u32 @p4 $0x1C11, s4;
	p2 =	por @!p4 p3, p3  }
0x3b: {  	[spmem:s7], [sflag:s4] =	dma.local @p4 [hbm:s6], $0x2700  }
0x3c: {  	p2 =	por !p2, !p5  }
0x3d: {  	p2 =	por !p2, !p2  }
.Ltmp4:
0x3e: {  	s4 =	simm.s32 @p4 $0x11;
	(pc) =	sbr.rel @!p2 .LBB2_7-.Ltmp4, $4  }
0x3f: {  	_ =	swait.ge @p4 [sflag:s4], $0x2700  }
0x40: {  	[sflag:s4] =	ssyncset.done @p4 $0x0  }
0x41: {  	[sflag:s4] =	ssyncadd.s32 @p4 $0xFFFFD900  }
0x42: {  	s7 =	stileid.u32;
	s4 =	rddreg [dreg:$0x1]  }
.LBB2_6:
0x43: {  	s7 =	sshll.u32 s7, $0x6;
	s6 =	rddreg [dreg:$0xc]  }
0x44: {  	s4 =	sadd.s32 $0x24900, s4;
	s7 =	sor.u32 $0x1C11, s7;
	s15 =	sshrl.u32 s6, $0x3  }
0x45: {  	[spmem:s15], [sflag:s7] =	dma.local [hbm:s4], $0x2800  }
0x46: {  	_ =	swait.ge [sflag:s17], $0x2800  }
0x47: {  	[sflag:s17] =	ssyncset.done $0x0  }
0x48: {  	[sflag:s17] =	ssyncadd.s32 $0xFFFFD800  }
.LBB2_7:
0x49: {  	p2 =	por $0x1, $0x1  }
0x4a: {  	[bflag:$0x0] =	sbarrier.arrive $0xFFFF;
	s4 =	simm.s32 @!p2 $0xD  }
0x4b: {  	_ =	swait.ge @!p2 [sflag:s4], $0x3000  }
0x4c: {  	s7 =	rddreg [dreg:$0x5];
	[sflag:s4] =	ssyncset.done @!p2 $0x0  }
0x4d: {  	s15 =	rddreg [dreg:$0x4];
	[sflag:s4] =	ssyncadd.s32 @!p2 $0xFFFFD000;
	s7 =	sadd.s32 $0x0, s7  }
0x4e: {  	[tilespmem:s3], [sflag:$0x1] =	stream.linear.gather [hbm4b:s7+s3], $0x60, $0x38;
	[tilespmem:$0x1FD80] =	vst v63  }
0x4f: {  	s17 =	simm.s32 $0x200;
	s15 =	sadd.s32 $0x0, s15;
	s7 =	simm.s32 @!p2 $0xE  }
0x50: {  	[tilespmem:s17], [sflag:$0x5] =	stream.linear.gather [hbm4b:s15+s3], $0x60, $0x38;
	[tilespmem:$0x1FD80] =	vst v63  }
0x51: {  	_ =	swait.ge @!p2 [sflag:s7], $0x3000  }
0x52: {  	s16 =	rddreg [dreg:$0xb];
	[sflag:s7] =	ssyncset.done @!p2 $0x0  }
0x53: {  	s6 =	rddreg [dreg:$0xa];
	[sflag:s7] =	ssyncadd.s32 @!p2 $0xFFFFD000;
	s4 =	sadd.s32 $0x0, s16  }
0x54: {  	[tilespmem:s18], [sflag:$0x2] =	stream.linear.gather [hbm4b:s4+s3], $0x60, $0x38;
	[tilespmem:$0x1FD80] =	vst v63  }
0x55: {  	s15 =	sadd.s32 $0x0, s6  }
0x56: {  	[tilespmem:s21], [sflag:$0x6] =	stream.linear.gather [hbm4b:s15+s3], $0x60, $0x38;
	[tilespmem:$0x1FD80] =	vst v63  }
0x57: {  	_ =	swait.ge [sflag:s19], $0x60  }
0x58: {  	[sflag:s19] =	ssyncset.done $0x0  }
0x59: {  	[sflag:s19] =	ssyncadd.s32 $0xFFFFFFA0  }
0x5a: {  	[tilespmem:s23], [sflag:$0x9] =	stream.indirect.gather [hbm4b:s5+s20], $0x80, s3, s20, $0xb8;
	[tilespmem:$0x1FD80] =	vst v63  }
0x5b: {  	_ =	swait.ge [sflag:s22], $0x60  }
0x5c: {  	[sflag:s22] =	ssyncset.done $0x0  }
0x5d: {  	s4 =	simm.s32 @!p2 $0xF;
	[sflag:s22] =	ssyncadd.s32 $0xFFFFFFA0  }
0x5e: {  	[tilespmem:s24], [sflag:$0xA] =	stream.indirect.gather [hbm4b:s5+s20], $0x80, s18, s20, $0xb8;
	[tilespmem:$0x1FD80] =	vst v63  }
0x5f: {  	_ =	swait.ge @!p2 [sflag:s4], $0x3000  }
0x60: {  	s16 =	rddreg [dreg:$0x9];
	[sflag:s4] =	ssyncset.done @!p2 $0x0  }
0x61: {  	s6 =	rddreg [dreg:$0x8];
	[sflag:s4] =	ssyncadd.s32 @!p2 $0xFFFFD000;
	s16 =	sadd.s32 $0x0, s16  }
0x62: {  	[tilespmem:s25], [sflag:$0x3] =	stream.linear.gather [hbm4b:s16+s3], $0x60, $0x38;
	[tilespmem:$0x1FD80] =	vst v63  }
0x63: {  	s7 =	simm.s32 @!p2 $0x10;
	s6 =	sadd.s32 $0x0, s6  }
0x64: {  	[tilespmem:s26], [sflag:$0x7] =	stream.linear.gather [hbm4b:s6+s3], $0x60, $0x38;
	[tilespmem:$0x1FD80] =	vst v63  }
0x65: {  	_ =	swait.ge @!p2 [sflag:s7], $0x3000  }
0x66: {  	s6 =	simm.s32 $0x180;
	s15 =	rddreg [dreg:$0x7];
	[sflag:s7] =	ssyncset.done @!p2 $0x0  }
0x67: {  	s16 =	rddreg [dreg:$0x6];
	[sflag:s7] =	ssyncadd.s32 @!p2 $0xFFFFD000;
	s4 =	sadd.s32 $0x0, s15  }
0x68: {  	[tilespmem:s6], [sflag:$0x4] =	stream.linear.gather [hbm4b:s4+s3], $0x60, $0x38;
	[tilespmem:$0x1FD80] =	vst v63  }
0x69: {  	s16 =	sadd.s32 $0x0, s16  }
0x6a: {  	[tilespmem:s28], [sflag:$0x8] =	stream.linear.gather [hbm4b:s16+s3], $0x60, $0x38;
	[tilespmem:$0x1FD80] =	vst v63  }
0x6b: {  	_ =	swait.ge [sflag:s29], $0x3000  }
0x6c: {  	[sflag:s29] =	ssyncset.done $0x0  }
0x6d: {  	[sflag:s29] =	ssyncadd.s32 $0xFFFFD000  }
0x6e: {  	_ =	swait.ge [sflag:s30], $0x60  }
0x6f: {  	[sflag:s30] =	ssyncset.done $0x0  }
0x70: {  	[sflag:s30] =	ssyncadd.s32 $0xFFFFFFA0  }
0x71: {  	[spmem:s2] =	stream.indirect.scatter.add.f32 [tilespmem:s23], [sflag:$0xD], $0x80, s17, s20, $0xb8;
	[tilespmem:$0x1FD80] =	vst v63  }
0x72: {  	_ =	swait.ge [sflag:s31], $0x3000  }
0x73: {  	[sflag:s31] =	ssyncset.done $0x0  }
0x74: {  	[sflag:s31] =	ssyncadd.s32 $0xFFFFD000  }
0x75: {  	_ =	swait.ge [sflag:s0], $0x60  }
0x76: {  	[sflag:s0] =	ssyncset.done $0x0  }
0x77: {  	[sflag:s0] =	ssyncadd.s32 $0xFFFFFFA0  }
0x78: {  	[spmem:s2] =	stream.indirect.scatter.add.f32 [tilespmem:s24], [sflag:$0xE], $0x80, s21, s20, $0xb8;
	[tilespmem:$0x1FD80] =	vst v63  }
0x79: {  	_ =	swait.ge [sflag:s1], $0x60  }
0x7a: {  	[sflag:s1] =	ssyncset.done $0x0  }
0x7b: {  	[sflag:s1] =	ssyncadd.s32 $0xFFFFFFA0  }
0x7c: {  	[tilespmem:s8], [sflag:$0xB] =	stream.indirect.gather [hbm4b:s5+s20], $0x80, s25, s20, $0xb8;
	[tilespmem:$0x1FD80] =	vst v63  }
0x7d: {  	_ =	swait.ge [sflag:s9], $0x60  }
0x7e: {  	[sflag:s9] =	ssyncset.done $0x0  }
0x7f: {  	[sflag:s9] =	ssyncadd.s32 $0xFFFFFFA0  }
0x80: {  	[tilespmem:s10], [sflag:$0xC] =	stream.indirect.gather [hbm4b:s5+s20], $0x80, s6, s20, $0xb8;
	[tilespmem:$0x1FD80] =	vst v63  }
0x81: {  	_ =	swait.ge [sflag:s11], $0x3000  }
0x82: {  	[sflag:s11] =	ssyncset.done $0x0  }
0x83: {  	[sflag:s11] =	ssyncadd.s32 $0xFFFFD000  }
0x84: {  	_ =	swait.ge [sflag:s12], $0x60  }
0x85: {  	[sflag:s12] =	ssyncset.done $0x0  }
0x86: {  	[sflag:s12] =	ssyncadd.s32 $0xFFFFFFA0  }
0x87: {  	[spmem:s2] =	stream.indirect.scatter.add.f32 [tilespmem:s8], [sflag:$0xF], $0x80, s26, s20, $0xb8;
	[tilespmem:$0x1FD80] =	vst v63  }
0x88: {  	_ =	swait.ge [sflag:s13], $0x3000  }
0x89: {  	[sflag:s13] =	ssyncset.done $0x0  }
0x8a: {  	[sflag:s13] =	ssyncadd.s32 $0xFFFFD000  }
0x8b: {  	s7 =	simm.s32 $0x30;
	_ =	swait.ge [sflag:s14], $0x60  }
0x8c: {  	p2 =	por $0x0, $0x0;
	s4 =	simm.s32 $0x60;
	[sflag:s14] =	ssyncset.done $0x0  }
.LBB2_8:
0x8d: {  	s6 =	simm.s32 @!p2 $0xD;
	[sflag:s14] =	ssyncadd.s32 $0xFFFFFFA0  }
0x8e: {  	[spmem:s2] =	stream.indirect.scatter.add.f32 [tilespmem:s10], [sflag:$0x10], $0x80, s28, s20, $0xb8;
	[tilespmem:$0x1FD80] =	vst v63  }
0x8f: {  	_ =	swait.ge @!p2 [sflag:s6], $0x3000  }
0x90: {  	[sflag:s6] =	ssyncset.done @!p2 $0x0;
	s16 =	rddreg [dreg:$0x5]  }
0x91: {  	[sflag:s6] =	ssyncadd.s32 @!p2 $0xFFFFD000;
	s6 =	rddreg [dreg:$0x4];
	s16 =	sadd.s32 s7, s16  }
0x92: {  	[tilespmem:s3], [sflag:$0x1] =	stream.linear.gather [hbm4b:s16+s3], $0x60, $0x38;
	[tilespmem:$0x1FD80] =	vst v63  }
0x93: {  	s6 =	sadd.s32 s7, s6;
	s16 =	simm.s32 @!p2 $0xE  }
0x94: {  	[tilespmem:s17], [sflag:$0x5] =	stream.linear.gather [hbm4b:s6+s3], $0x60, $0x38;
	[tilespmem:$0x1FD80] =	vst v63  }
0x95: {  	_ =	swait.ge @!p2 [sflag:s16], $0x3000  }
0x96: {  	s6 =	rddreg [dreg:$0xb];
	[sflag:s16] =	ssyncset.done @!p2 $0x0  }
0x97: {  	s17 =	rddreg [dreg:$0xa];
	[sflag:s16] =	ssyncadd.s32 @!p2 $0xFFFFD000;
	s6 =	sadd.s32 s7, s6  }
0x98: {  	[tilespmem:s18], [sflag:$0x2] =	stream.linear.gather [hbm4b:s6+s3], $0x60, $0x38;
	[tilespmem:$0x1FD80] =	vst v63  }
0x99: {  	s17 =	sadd.s32 s7, s17  }
0x9a: {  	[tilespmem:s21], [sflag:$0x6] =	stream.linear.gather [hbm4b:s17+s3], $0x60, $0x38;
	[tilespmem:$0x1FD80] =	vst v63  }
0x9b: {  	_ =	swait.ge [sflag:s19], $0x60  }
0x9c: {  	[sflag:s19] =	ssyncset.done $0x0  }
0x9d: {  	[sflag:s19] =	ssyncadd.s32 $0xFFFFFFA0  }
0x9e: {  	[tilespmem:s23], [sflag:$0x9] =	stream.indirect.gather [hbm4b:s5+s20], $0x80, s3, s20, $0xb8;
	[tilespmem:$0x1FD80] =	vst v63  }
0x9f: {  	_ =	swait.ge [sflag:s22], $0x60  }
0xa0: {  	[sflag:s22] =	ssyncset.done $0x0  }
0xa1: {  	s6 =	simm.s32 @!p2 $0xF;
	[sflag:s22] =	ssyncadd.s32 $0xFFFFFFA0  }
0xa2: {  	[tilespmem:s24], [sflag:$0xA] =	stream.indirect.gather [hbm4b:s5+s20], $0x80, s18, s20, $0xb8;
	[tilespmem:$0x1FD80] =	vst v63  }
0xa3: {  	_ =	swait.ge @!p2 [sflag:s6], $0x3000  }
0xa4: {  	s16 =	rddreg [dreg:$0x9];
	[sflag:s6] =	ssyncset.done @!p2 $0x0  }
0xa5: {  	s17 =	rddreg [dreg:$0x8];
	[sflag:s6] =	ssyncadd.s32 @!p2 $0xFFFFD000;
	s16 =	sadd.s32 s7, s16  }
0xa6: {  	[tilespmem:s25], [sflag:$0x3] =	stream.linear.gather [hbm4b:s16+s3], $0x60, $0x38;
	[tilespmem:$0x1FD80] =	vst v63  }
0xa7: {  	s17 =	sadd.s32 s7, s17;
	s16 =	simm.s32 @!p2 $0x10  }
0xa8: {  	[tilespmem:s26], [sflag:$0x7] =	stream.linear.gather [hbm4b:s17+s3], $0x60, $0x38;
	[tilespmem:$0x1FD80] =	vst v63  }
0xa9: {  	_ =	swait.ge @!p2 [sflag:s16], $0x3000  }
0xaa: {  	s6 =	rddreg [dreg:$0x7]  }
0xab: {  	[sflag:s16] =	ssyncset.done @!p2 $0x0;
	s17 =	rddreg [dreg:$0x6]  }
0xac: {  	[sflag:s16] =	ssyncadd.s32 @!p2 $0xFFFFD000;
	s16 =	simm.s32 $0x180;
	s6 =	sadd.s32 s7, s6  }
0xad: {  	[tilespmem:s16], [sflag:$0x4] =	stream.linear.gather [hbm4b:s6+s3], $0x60, $0x38;
	[tilespmem:$0x1FD80] =	vst v63  }
0xae: {  	s6 =	sadd.s32 s7, s17  }
0xaf: {  	[tilespmem:s28], [sflag:$0x8] =	stream.linear.gather [hbm4b:s6+s3], $0x60, $0x38;
	[tilespmem:$0x1FD80] =	vst v63  }
0xb0: {  	_ =	swait.ge [sflag:s29], $0x3000  }
0xb1: {  	[sflag:s29] =	ssyncset.done $0x0  }
0xb2: {  	[sflag:s29] =	ssyncadd.s32 $0xFFFFD000  }
0xb3: {  	_ =	swait.ge [sflag:s30], $0x60  }
0xb4: {  	[sflag:s30] =	ssyncset.done $0x0  }
0xb5: {  	s17 =	simm.s32 $0x200;
	[sflag:s30] =	ssyncadd.s32 $0xFFFFFFA0  }
0xb6: {  	[spmem:s2] =	stream.indirect.scatter.add.f32 [tilespmem:s23], [sflag:$0xD], $0x80, s17, s20, $0xb8;
	[tilespmem:$0x1FD80] =	vst v63  }
0xb7: {  	_ =	swait.ge [sflag:s31], $0x3000  }
0xb8: {  	[sflag:s31] =	ssyncset.done $0x0  }
0xb9: {  	[sflag:s31] =	ssyncadd.s32 $0xFFFFD000  }
0xba: {  	_ =	swait.ge [sflag:s0], $0x60  }
0xbb: {  	[sflag:s0] =	ssyncset.done $0x0  }
0xbc: {  	[sflag:s0] =	ssyncadd.s32 $0xFFFFFFA0  }
0xbd: {  	[spmem:s2] =	stream.indirect.scatter.add.f32 [tilespmem:s24], [sflag:$0xE], $0x80, s21, s20, $0xb8;
	[tilespmem:$0x1FD80] =	vst v63  }
0xbe: {  	_ =	swait.ge [sflag:s1], $0x60  }
0xbf: {  	[sflag:s1] =	ssyncset.done $0x0  }
0xc0: {  	[sflag:s1] =	ssyncadd.s32 $0xFFFFFFA0  }
0xc1: {  	[tilespmem:s8], [sflag:$0xB] =	stream.indirect.gather [hbm4b:s5+s20], $0x80, s25, s20, $0xb8;
	[tilespmem:$0x1FD80] =	vst v63  }
0xc2: {  	_ =	swait.ge [sflag:s9], $0x60  }
0xc3: {  	[sflag:s9] =	ssyncset.done $0x0  }
0xc4: {  	[sflag:s9] =	ssyncadd.s32 $0xFFFFFFA0  }
0xc5: {  	[tilespmem:s10], [sflag:$0xC] =	stream.indirect.gather [hbm4b:s5+s20], $0x80, s16, s20, $0xb8;
	[tilespmem:$0x1FD80] =	vst v63  }
0xc6: {  	_ =	swait.ge [sflag:s11], $0x3000  }
0xc7: {  	[sflag:s11] =	ssyncset.done $0x0  }
0xc8: {  	[sflag:s11] =	ssyncadd.s32 $0xFFFFD000  }
0xc9: {  	_ =	swait.ge [sflag:s12], $0x60  }
0xca: {  	s15 =	smov.u32 s4;
	s4 =	sadd.s32 $0x30, s4;
	[sflag:s12] =	ssyncset.done $0x0  }
0xcb: {  	p6 =	sne.s32 s4, $0x4E0;
	[sflag:s12] =	ssyncadd.s32 $0xFFFFFFA0  }
0xcc: {  	[spmem:s2] =	stream.indirect.scatter.add.f32 [tilespmem:s8], [sflag:$0xF], $0x80, s26, s20, $0xb8;
	[tilespmem:$0x1FD80] =	vst v63  }
.Ltmp5:
0xcd: {  	_ =	swait.ge [sflag:s13], $0x3000;
	(pc) =	sbr.rel @p6 .LBB2_8-.Ltmp5, $4  }
0xce: {  	[sflag:s13] =	ssyncset.done $0x0  }
0xcf: {  	[sflag:s13] =	ssyncadd.s32 $0xFFFFD000  }
0xd0: {  	s7 =	smov.u32 s15;
	_ =	swait.ge [sflag:s14], $0x60  }
0xd1: {  	p2 =	seq.s32 s7, $0x0;
	[sflag:s14] =	ssyncset.done $0x0  }
0xd2: {  	s4 =	simm.s32 @!p2 $0xD;
	[sflag:s14] =	ssyncadd.s32 $0xFFFFFFA0  }
0xd3: {  	[spmem:s2] =	stream.indirect.scatter.add.f32 [tilespmem:s10], [sflag:$0x10], $0x80, s28, s20, $0xb8;
	[tilespmem:$0x1FD80] =	vst v63  }
0xd4: {  	_ =	swait.ge @!p2 [sflag:s4], $0x3000  }
0xd5: {  	s6 =	rddreg [dreg:$0x5];
	[sflag:s4] =	ssyncset.done @!p2 $0x0  }
0xd6: {  	s15 =	rddreg [dreg:$0x4];
	[sflag:s4] =	ssyncadd.s32 @!p2 $0xFFFFD000;
	s6 =	sadd.s32 s7, s6  }
0xd7: {  	[tilespmem:s3], [sflag:$0x1] =	stream.linear.gather [hbm4b:s6+s3], $0x60, $0x38;
	[tilespmem:$0x1FD80] =	vst v63  }
0xd8: {  	s15 =	sadd.s32 s7, s15;
	s6 =	simm.s32 @!p2 $0xE  }
0xd9: {  	[tilespmem:s17], [sflag:$0x5] =	stream.linear.gather [hbm4b:s15+s3], $0x60, $0x38;
	[tilespmem:$0x1FD80] =	vst v63  }
0xda: {  	_ =	swait.ge @!p2 [sflag:s6], $0x3000  }
0xdb: {  	s4 =	rddreg [dreg:$0xb];
	[sflag:s6] =	ssyncset.done @!p2 $0x0  }
0xdc: {  	s15 =	rddreg [dreg:$0xa];
	[sflag:s6] =	ssyncadd.s32 @!p2 $0xFFFFD000;
	s4 =	sadd.s32 s7, s4  }
0xdd: {  	[tilespmem:s18], [sflag:$0x2] =	stream.linear.gather [hbm4b:s4+s3], $0x60, $0x38;
	[tilespmem:$0x1FD80] =	vst v63  }
0xde: {  	s15 =	sadd.s32 s7, s15  }
0xdf: {  	[tilespmem:s21], [sflag:$0x6] =	stream.linear.gather [hbm4b:s15+s3], $0x60, $0x38;
	[tilespmem:$0x1FD80] =	vst v63  }
0xe0: {  	_ =	swait.ge [sflag:s19], $0x60  }
0xe1: {  	[sflag:s19] =	ssyncset.done $0x0  }
0xe2: {  	[sflag:s19] =	ssyncadd.s32 $0xFFFFFFA0  }
0xe3: {  	[tilespmem:s23], [sflag:$0x9] =	stream.indirect.gather [hbm4b:s5+s20], $0x80, s3, s20, $0xb8;
	[tilespmem:$0x1FD80] =	vst v63  }
0xe4: {  	_ =	swait.ge [sflag:s22], $0x60  }
0xe5: {  	[sflag:s22] =	ssyncset.done $0x0  }
0xe6: {  	s4 =	simm.s32 @!p2 $0xF;
	[sflag:s22] =	ssyncadd.s32 $0xFFFFFFA0  }
0xe7: {  	[tilespmem:s24], [sflag:$0xA] =	stream.indirect.gather [hbm4b:s5+s20], $0x80, s18, s20, $0xb8;
	[tilespmem:$0x1FD80] =	vst v63  }
0xe8: {  	_ =	swait.ge @!p2 [sflag:s4], $0x3000  }
0xe9: {  	s6 =	rddreg [dreg:$0x9];
	[sflag:s4] =	ssyncset.done @!p2 $0x0  }
0xea: {  	s15 =	rddreg [dreg:$0x8];
	[sflag:s4] =	ssyncadd.s32 @!p2 $0xFFFFD000;
	s6 =	sadd.s32 s7, s6  }
0xeb: {  	[tilespmem:s25], [sflag:$0x3] =	stream.linear.gather [hbm4b:s6+s3], $0x60, $0x38;
	[tilespmem:$0x1FD80] =	vst v63  }
0xec: {  	s15 =	sadd.s32 s7, s15;
	s6 =	simm.s32 @!p2 $0x10  }
0xed: {  	[tilespmem:s26], [sflag:$0x7] =	stream.linear.gather [hbm4b:s15+s3], $0x60, $0x38;
	[tilespmem:$0x1FD80] =	vst v63  }
0xee: {  	_ =	swait.ge @!p2 [sflag:s6], $0x3000  }
0xef: {  	s4 =	rddreg [dreg:$0x7];
	[sflag:s6] =	ssyncset.done @!p2 $0x0  }
0xf0: {  	s15 =	rddreg [dreg:$0x6];
	[sflag:s6] =	ssyncadd.s32 @!p2 $0xFFFFD000;
	s4 =	sadd.s32 s7, s4  }
0xf1: {  	[tilespmem:s16], [sflag:$0x4] =	stream.linear.gather [hbm4b:s4+s3], $0x60, $0x38;
	[tilespmem:$0x1FD80] =	vst v63  }
0xf2: {  	s6 =	sadd.s32 s7, s15  }
0xf3: {  	[tilespmem:s28], [sflag:$0x8] =	stream.linear.gather [hbm4b:s6+s3], $0x60, $0x38;
	[tilespmem:$0x1FD80] =	vst v63  }
0xf4: {  	_ =	swait.ge [sflag:s29], $0x3000  }
0xf5: {  	[sflag:s29] =	ssyncset.done $0x0  }
0xf6: {  	[sflag:s29] =	ssyncadd.s32 $0xFFFFD000  }
0xf7: {  	_ =	swait.ge [sflag:s30], $0x60  }
0xf8: {  	[sflag:s30] =	ssyncset.done $0x0  }
0xf9: {  	[sflag:s30] =	ssyncadd.s32 $0xFFFFFFA0  }
0xfa: {  	[spmem:s2] =	stream.indirect.scatter.add.f32 [tilespmem:s23], [sflag:$0xD], $0x80, s17, s20, $0xb8;
	[tilespmem:$0x1FD80] =	vst v63  }
0xfb: {  	_ =	swait.ge [sflag:s31], $0x3000  }
0xfc: {  	[sflag:s31] =	ssyncset.done $0x0  }
0xfd: {  	[sflag:s31] =	ssyncadd.s32 $0xFFFFD000  }
0xfe: {  	_ =	swait.ge [sflag:s0], $0x60  }
0xff: {  	[sflag:s0] =	ssyncset.done $0x0  }
0x100: {  	[sflag:s0] =	ssyncadd.s32 $0xFFFFFFA0  }
0x101: {  	[spmem:s2] =	stream.indirect.scatter.add.f32 [tilespmem:s24], [sflag:$0xE], $0x80, s21, s20, $0xb8;
	[tilespmem:$0x1FD80] =	vst v63  }
0x102: {  	_ =	swait.ge [sflag:s1], $0x60  }
0x103: {  	[sflag:s1] =	ssyncset.done $0x0  }
0x104: {  	[sflag:s1] =	ssyncadd.s32 $0xFFFFFFA0  }
0x105: {  	[tilespmem:s8], [sflag:$0xB] =	stream.indirect.gather [hbm4b:s5+s20], $0x80, s25, s20, $0xb8;
	[tilespmem:$0x1FD80] =	vst v63  }
0x106: {  	_ =	swait.ge [sflag:s9], $0x60  }
0x107: {  	[sflag:s9] =	ssyncset.done $0x0  }
0x108: {  	[sflag:s9] =	ssyncadd.s32 $0xFFFFFFA0  }
0x109: {  	[tilespmem:s10], [sflag:$0xC] =	stream.indirect.gather [hbm4b:s5+s20], $0x80, s16, s20, $0xb8;
	[tilespmem:$0x1FD80] =	vst v63  }
0x10a: {  	_ =	swait.ge [sflag:s11], $0x3000  }
0x10b: {  	[sflag:s11] =	ssyncset.done $0x0  }
0x10c: {  	[sflag:s11] =	ssyncadd.s32 $0xFFFFD000  }
0x10d: {  	_ =	swait.ge [sflag:s12], $0x60  }
0x10e: {  	[sflag:s12] =	ssyncset.done $0x0  }
0x10f: {  	[sflag:s12] =	ssyncadd.s32 $0xFFFFFFA0  }
0x110: {  	[spmem:s2] =	stream.indirect.scatter.add.f32 [tilespmem:s8], [sflag:$0xF], $0x80, s26, s20, $0xb8;
	[tilespmem:$0x1FD80] =	vst v63  }
0x111: {  	_ =	swait.ge [sflag:s13], $0x3000  }
0x112: {  	[sflag:s13] =	ssyncset.done $0x0  }
0x113: {  	[sflag:s13] =	ssyncadd.s32 $0xFFFFD000  }
0x114: {  	_ =	swait.ge [sflag:s14], $0x60  }
0x115: {  	[sflag:s14] =	ssyncset.done $0x0  }
0x116: {  	s7 =	simm.s32 $0xD;
	[sflag:s14] =	ssyncadd.s32 $0xFFFFFFA0  }
0x117: {  	[spmem:s2] =	stream.indirect.scatter.add.f32 [tilespmem:s10], [sflag:$0x10], $0x80, s28, s20, $0xb8;
	[tilespmem:$0x1FD80] =	vst v63  }
0x118: {  	_ =	swait.ge [sflag:s7], $0x3000  }
0x119: {  	[sflag:s7] =	ssyncset.done $0x0  }
0x11a: {  	s15 =	simm.s32 $0xE;
	[sflag:s7] =	ssyncadd.s32 $0xFFFFD000  }
0x11b: {  	_ =	swait.ge [sflag:s15], $0x3000  }
0x11c: {  	[sflag:s15] =	ssyncset.done $0x0  }
0x11d: {  	s16 =	simm.s32 $0xF;
	[sflag:s15] =	ssyncadd.s32 $0xFFFFD000  }
0x11e: {  	_ =	swait.ge [sflag:s16], $0x3000  }
0x11f: {  	[sflag:s16] =	ssyncset.done $0x0  }
0x120: {  	s6 =	simm.s32 $0x10;
	[sflag:s16] =	ssyncadd.s32 $0xFFFFD000  }
0x121: {  	_ =	swait.ge [sflag:s6], $0x3000  }
0x122: {  	[sflag:s6] =	ssyncset.done $0x0  }
0x123: {  	s7 =	simm.s32 $0xC400;
	s17 =	rddreg [dreg:$0x10];
	[sflag:s6] =	ssyncadd.s32 $0xFFFFD000  }
0x124: {  	[tilespmem:s7], [sflag:$0x11] =	stream.linear.gather [hbm4b:s17+s3], $0x10, $0x38;
	[tilespmem:$0x1FD80] =	vst v63  }
0x125: {  	s17 =	simm.s32 $0x11  }
0x126: {  	_ =	swait.ge [sflag:s17], $0x10  }
0x127: {  	[sflag:s17] =	ssyncset.done $0x0  }
0x128: {  	s16 =	simm.s32 $0xC480;
	s15 =	rddreg [dreg:$0x11];
	[sflag:s17] =	ssyncadd.s32 $0xFFFFFFF0  }
0x129: {  	[tilespmem:s16], [sflag:$0x11] =	stream.linear.gather [hbm4b:s15+s3], $0x10, $0x38;
	[tilespmem:$0x1FD80] =	vst v63  }
0x12a: {  	_ =	swait.ge [sflag:s17], $0x10  }
0x12b: {  	[sflag:s17] =	ssyncset.done $0x0  }
0x12c: {  	[sflag:s17] =	ssyncadd.s32 $0xFFFFFFF0  }
0x12d: {  	[tilespmem:s23], [sflag:$0x9] =	stream.indirect.gather [hbm4b:s5+s6], $0x80, s7, s6, $0xb8;
	[tilespmem:$0x1FD80] =	vst v63  }
0x12e: {  	_ =	swait.ge [sflag:s29], $0x800  }
0x12f: {  	[sflag:s29] =	ssyncset.done $0x0  }
0x130: {  	[sflag:s29] =	ssyncadd.s32 $0xFFFFF800  }
0x131: {  	[spmem:s2] =	stream.indirect.scatter.add.f32 [tilespmem:s23], [sflag:$0x11], $0x80, s16, s6, $0xb8;
	[tilespmem:$0x1FD80] =	vst v63  }
0x132: {  	_ =	swait.ge [sflag:s17], $0x800  }
0x133: {  	[sflag:s17] =	ssyncset.done $0x0  }
0x134: {  	[sflag:s17] =	ssyncadd.s32 $0xFFFFF800  }
0x135: {  	s15 =	stileid.u32;
	[bflag:$0x0] =	sbarrier.arrive $0xFFFF  }
0x136: {  	s4 =	sshll.u32 @!p0 s15, $0x6;
	s16 =	rddreg [dreg:$0xd]  }
0x137: {  	s4 =	sor.u32 @!p0 $0x1C11, s4;
	s7 =	rddreg [dreg:$0x12];
	s6 =	sshrl.u32 @!p0 s16, $0x3  }
0x138: {  	[hbm:s7], [sflag:s4] =	dma.local @!p0 [spmem:s6], $0x2700  }
0x139: {  	s4 =	simm.s32 @!p0 $0x11  }
0x13a: {  	_ =	swait.ge @!p0 [sflag:s4], $0x2700  }
0x13b: {  	s6 =	sshll.u32 @p5 s15, $0x6;
	[sflag:s4] =	ssyncset.done @!p0 $0x0  }
0x13c: {  	[sflag:s4] =	ssyncadd.s32 @!p0 $0xFFFFD900;
	s4 =	sor.u32 @p5 $0x1C11, s6;
	s6 =	rddreg [dreg:$0xc]  }
0x13d: {  	s7 =	rddreg [dreg:$0x13];
	s6 =	sshrl.u32 @p5 s6, $0x3  }
0x13e: {  	[hbm:s7], [sflag:s4] =	dma.local @p5 [spmem:s6], $0x2800  }
0x13f: {  	s4 =	simm.s32 @p5 $0x11  }
0x140: {  	_ =	swait.ge @p5 [sflag:s4], $0x2800  }
0x141: {  	s6 =	rddreg [dreg:$0x15]  }
0x142: {  	s7 =	sadd.s32 $0x1, s6;
	s6 =	rddreg [dreg:$0x14]  }
0x143: {  	p2 =	sne.s32 s7, s6  }
.Ltmp6:
0x144: {  	_ = 	snop;
	(pc) =	sbr.rel @p2 .LBB2_1-.Ltmp6, $3  }
0x145: {  	_ =	sdelay $0x1  }
0x146: {  	[sflag:s4] =	ssyncset.done @p5 $0x0  }
0x147: {  	[sflag:s4] =	ssyncadd.s32 @p5 $0xFFFFD800  }
0x148: {  	_ =	sfence.sel $0x180000  }
0x149: {  	[bflag:$0x0] =	sbarrier.arrive $0xFFFF  }
0x14a: {  	_ =	strace $0x9000004A  }
0x14b: {  	[bflag:$0x2] =	sbarrier.arrive $0xFFFF  }
0x14c: {  	p0 =	sne.s32 s15, $0x0;
	s0 =	rddreg [dreg:$0x3]  }
0x14d: {  	s0 =	sadd.s32 @!p0 $0x100000, s0  }
0x14e: {  	[sflag:s0] =	ssyncadd.tile.s32 @!p0 $0x1;
	_ =	shalt  }
.Lfunc_end2:
_tile_overlayer_lowered:
.L_overlay_start_2:
0x14f: {  	(tag) =	ssettag $0x2  }
0x150: {  	s0 =	rddreg [dreg:$0x0];
	s2 =	stileid.u32  }
0x151: {  	s1 =	rddreg [dreg:$0x1];
	p0 =	sne.s32 s2, $0x0  }
0x152: {  	s3 =	rddreg [dreg:$0x2];
	[bflag:$0x3] =	sbarrier.arrive $0xFFFF;
	s2 =	simm.s32 @!p0 $0x1C11  }
0x153: {  	[timem:s3], [sflag:s2] =	dma.local @!p0 [hbm:s0], s1  }
0x154: {  	s0 =	simm.s32 @!p0 $0x11  }
0x155: {  	_ =	swait.ge @!p0 [sflag:s0], s1  }
0x156: {  	s1 =	ssub.s32 @!p0 $0x0, s1;
	[sflag:s0] =	ssyncset.done @!p0 $0x0  }
0x157: {  	[sflag:s0] =	ssyncadd.s32 @!p0 s1  }
0x158: {  	[bflag:$0x3] =	sbarrier.arrive $0xFFFF  }
0x159: {  	_ =	shalt  }

</sc_bundles>
